<compile_context>
chip_gen: v7x
topology: tpu7x:2x2x1
jax: 0.10.2.dev20260603
libtpu: 0.0.44.dev20260713+nightly
codegen_flags: <defaults>
</compile_context>

<pallas_src>
import functools

import jax
import jax.numpy as jnp
from jax import lax
from jax.experimental import pallas as pl
from jax.experimental.pallas import tpu as pltpu
from jax.experimental.pallas import tpu_sc as plsc

N = 10000
E = 160000
NC = 2
NS = 16
NTM = 624
REM = N - NTM * NS
ET = E // NS
ED = E // (NC * NS)
CD = 1000

R = 1000

_MESH = plsc.VectorSubcoreMesh(
    core_axis_name="c", subcore_axis_name="s", num_cores=NC, num_subcores=NS)
_SC_PARAMS = pltpu.CompilerParams(use_tc_tiling_on_sc=False,
                                  needs_layout_passes=False)


@functools.partial(
    pl.kernel,
    out_type=jax.ShapeDtypeStruct((NC * N,), jnp.float32),
    mesh=_MESH,
    compiler_params=_SC_PARAMS,
    scratch_types=[
        pltpu.VMEM_SHARED((N, 16), jnp.float32),
        pltpu.VMEM((NTM, 16), jnp.float32),
        pltpu.VMEM((CD, 16), jnp.float32),
        pltpu.VMEM((CD,), jnp.int32),
        pltpu.VMEM((NTM,), jnp.float32),
        pltpu.SemaphoreType.DMA,
    ],
)
def _deg_kernel(col_hbm, zeros_hbm, ones_hbm, out_hbm, acc, zed_v, ones_v,
                icol_v, lane0_v, sem):
    c = lax.axis_index("c")
    s = lax.axis_index("s")
    pltpu.sync_copy(zeros_hbm.at[pl.ds(0, NTM), :], zed_v)
    pltpu.sync_copy(ones_hbm.at[pl.ds(0, CD), :], ones_v)
    pltpu.sync_copy(zed_v, acc.at[pl.ds(s * NTM, NTM), :])

    @pl.when(s == 0)
    def _():
        pltpu.sync_copy(zed_v.at[pl.ds(0, REM), :],
                        acc.at[pl.ds(NTM * NS, REM), :])

    plsc.subcore_barrier()
    wid = s * NC + c
    e_base = wid * ED

    def body(i, _):
        pltpu.sync_copy(col_hbm.at[pl.ds(e_base + i * CD, CD)], icol_v)
        pltpu.sync_copy(ones_v, acc.at[icol_v], add=True)
        return 0

    lax.fori_loop(0, ED // CD, body, 0)
    plsc.subcore_barrier()
    pltpu.sync_copy(acc.at[pl.ds(s * NTM, NTM), :], zed_v)
    rows16 = lax.iota(jnp.int32, 16)
    col0 = jnp.zeros((16,), jnp.int32)

    def extract(j, _):
        lane0_v[pl.ds(j * 16, 16)] = plsc.load_gather(
            zed_v, [rows16 + j * 16, col0])
        return 0

    lax.fori_loop(0, NTM // 16, extract, 0)
    pltpu.sync_copy(lane0_v, out_hbm.at[pl.ds(c * N + s * NTM, NTM)])

    @pl.when(s == 0)
    def _():
        pltpu.sync_copy(acc.at[pl.ds(NTM * NS, REM), :],
                        zed_v.at[pl.ds(0, REM), :])
        lane0_v[pl.ds(0, 16)] = plsc.load_gather(zed_v, [rows16, col0])
        pltpu.sync_copy(lane0_v.at[pl.ds(0, REM)],
                        out_hbm.at[pl.ds(c * N + NTM * NS, REM)])


RING = 4


def _make_agg(dh, ca, esplit):
    et = E // NC // NS if esplit else ET
    nch = et // ca
    nq = nch // RING

    def idxrow(idx2d, chunk):
        return idx2d.at[chunk]

    @functools.partial(
        pl.kernel,
        out_type=jax.ShapeDtypeStruct((NC * N, dh), jnp.float32),
        mesh=_MESH,
        compiler_params=_SC_PARAMS,
        scratch_types=[
            pltpu.VMEM_SHARED((N, dh), jnp.float32),
            pltpu.VMEM((nch, ca), jnp.int32),
            pltpu.VMEM((nch, ca), jnp.int32),
            [pltpu.VMEM((ca, dh), jnp.float32)] * RING,
            [pltpu.SemaphoreType.DMA] * RING,
            [pltpu.SemaphoreType.DMA] * RING,
        ],
    )
    def agg(g_hbm, row2d_hbm, col2d_hbm, out_hbm, acc, irow2d, icol2d,
            bufs, semg, sems):
        c = lax.axis_index("c")
        s = lax.axis_index("s")
        ginit = 0 if esplit else c * N
        pltpu.sync_copy(g_hbm.at[pl.ds(ginit + s * NTM, NTM), :],
                        acc.at[pl.ds(s * NTM, NTM), :])

        @pl.when(s == 0)
        def _():
            pltpu.sync_copy(g_hbm.at[pl.ds(ginit + NTM * NS, REM), :],
                            acc.at[pl.ds(NTM * NS, REM), :])

        if esplit:
            rbase = (c * (E // NC) + s * et) // ca
            cbase = rbase
        else:
            rbase = (c * E + s * et) // ca
            cbase = s * et // ca
        pltpu.sync_copy(row2d_hbm.at[pl.ds(rbase, nch), :], irow2d)
        pltpu.sync_copy(col2d_hbm.at[pl.ds(cbase, nch), :], icol2d)
        plsc.subcore_barrier()

        def gat(chunk, b):
            return pltpu.make_async_copy(
                g_hbm.at[idxrow(irow2d, chunk)], bufs[b], semg[b])

        def sca(chunk, b):
            return pltpu.make_async_copy(
                bufs[b], acc.at[idxrow(icol2d, chunk)], sems[b])

        for b in range(RING):
            gat(b, b).start()

        def body(k, _):
            base = k * RING
            for b in range(RING):
                chunk = base + b
                gat(chunk, b).wait()
                pltpu.async_copy(
                    bufs[b], acc.at[idxrow(icol2d, chunk)], sems[b],
                    add=True)

                @pl.when(k < nq - 1)
                def _():
                    sca(chunk, b).wait()
                    gat(chunk + RING, b).start()

            return 0

        lax.fori_loop(0, nq, body, 0)
        for b in range(RING):
            sca(nch - RING + b, b).wait()
        plsc.subcore_barrier()
        pltpu.sync_copy(acc.at[pl.ds(s * NTM, NTM), :],
                        out_hbm.at[pl.ds(c * N + s * NTM, NTM), :])

        @pl.when(s == 0)
        def _():
            pltpu.sync_copy(acc.at[pl.ds(NTM * NS, REM), :],
                            out_hbm.at[pl.ds(c * N + NTM * NS, REM), :])

    return agg


_agg_l1 = _make_agg(128, 50, esplit=True)
_agg_l2 = _make_agg(128, 50, esplit=False)


def _dis_from(dt_ref):
    dt = dt_ref[...]
    return lax.rsqrt(dt[:, 0] + dt[:, 1] + 1.0)


def _tc_a0_body(x_ref, w_ref, out_ref):
    out_ref[...] = jnp.dot(x_ref[...], w_ref[...],
                           preferred_element_type=jnp.float32)


def _tc_a1_body(h_ref, dt_ref, out_ref):
    out_ref[...] = h_ref[...] * _dis_from(dt_ref)[:, None]


def _tc_b_body(s_ref, g1_ref, dt_ref, b_ref, w_ref, out_ref):
    dis = _dis_from(dt_ref)
    sfull = s_ref[0] + s_ref[1] - g1_ref[...]
    x2 = jnp.maximum(sfull * dis[:, None] + b_ref[0], 0.0)
    h = jnp.dot(x2, w_ref[...], preferred_element_type=jnp.float32)
    g = h * dis[:, None]
    out_ref[0] = g[:, :128]
    out_ref[1] = g[:, 128:]


def _tc_c_body(s_ref, dt_ref, b_ref, out_ref):
    dis = _dis_from(dt_ref)
    sfull = jnp.concatenate([s_ref[0], s_ref[1]], axis=1)
    out_ref[...] = sfull * dis[:, None] + b_ref[0]


def _deg_specs():
    return [pl.BlockSpec((R, 2), lambda i: (i, 0))]


_tc_a0 = pl.pallas_call(
    _tc_a0_body,
    grid=(N // R,),
    in_specs=[
        pl.BlockSpec((R, 256), lambda i: (i, 0)),
        pl.BlockSpec((256, 128), lambda i: (0, 0)),
    ],
    out_specs=pl.BlockSpec((R, 128), lambda i: (i, 0)),
    out_shape=jax.ShapeDtypeStruct((N, 128), jnp.float32),
)

_tc_a1 = pl.pallas_call(
    _tc_a1_body,
    grid=(N // R,),
    in_specs=[
        pl.BlockSpec((R, 128), lambda i: (i, 0)),
        *_deg_specs(),
    ],
    out_specs=pl.BlockSpec((R, 128), lambda i: (i, 0)),
    out_shape=jax.ShapeDtypeStruct((N, 128), jnp.float32),
)

_tc_b = pl.pallas_call(
    _tc_b_body,
    grid=(N // R,),
    in_specs=[
        pl.BlockSpec((2, R, 128), lambda i: (0, i, 0)),
        pl.BlockSpec((R, 128), lambda i: (i, 0)),
        *_deg_specs(),
        pl.BlockSpec((1, 128), lambda i: (0, 0)),
        pl.BlockSpec((128, 256), lambda i: (0, 0)),
    ],
    out_specs=pl.BlockSpec((2, R, 128), lambda i: (0, i, 0)),
    out_shape=jax.ShapeDtypeStruct((2, N, 128), jnp.float32),
)

_tc_c = pl.pallas_call(
    _tc_c_body,
    grid=(N // R,),
    in_specs=[
        pl.BlockSpec((2, R, 128), lambda i: (0, i, 0)),
        *_deg_specs(),
        pl.BlockSpec((1, 256), lambda i: (0, 0)),
    ],
    out_specs=pl.BlockSpec((R, 256), lambda i: (i, 0)),
    out_shape=jax.ShapeDtypeStruct((N, 256), jnp.float32),
)


@jax.jit
def kernel(x, edge_index, W1, b1, W2, b2):
    row = edge_index[0]
    col = edge_index[1]
    rowcat = jnp.concatenate([row, row + N])
    zeros16 = jnp.zeros((NTM, 16), jnp.float32)
    ones16 = jnp.ones((CD, 16), jnp.float32)

    degt = _deg_kernel(col, zeros16, ones16).reshape(2, N).T
    h1 = _tc_a0(x, W1)

    row2d = row.reshape(-1, 50)
    col2d = col.reshape(-1, 50)
    g1 = _tc_a1(h1, degt)
    s1 = _agg_l1(g1, row2d, col2d).reshape(2, N, 128)

    g2 = _tc_b(s1, g1, degt, b1.reshape(1, 128), W2)
    s2 = _agg_l2(g2.reshape(2 * N, 128), rowcat.reshape(-1, 50), col2d)

    return _tc_c(s2.reshape(2, N, 128), degt, b2.reshape(1, 256))

# --- scband reference (transcript-rebuilt; emitter-appended) ---
"""Pipeline reference for scband-gcn-58128087384845 (READ-ONLY COPY).

The authoritative reference and input builder live on the scoring server;
editing this copy changes nothing except your own understanding.
"""

import jax, jax.numpy as jnp
import numpy as np

N = 10000
E = 160000
D_IN = 256
D_HID = 128
D_OUT = 256


def setup_inputs(seed: int = 0) -> dict:
    key = jax.random.key(seed)
    k1, k2, k3, k4, k5, k6 = jax.random.split(key, 6)
    x = jax.random.normal(k1, (N, D_IN), dtype=jnp.float32)
    edge_index = jax.random.randint(k2, (2, E), 0, N, dtype=jnp.int32)
    W1 = jax.random.normal(k3, (D_IN, D_HID), dtype=jnp.float32) * (1.0 / np.sqrt(D_IN))
    b1 = jnp.zeros((D_HID,), dtype=jnp.float32)
    W2 = jax.random.normal(k4, (D_HID, D_OUT), dtype=jnp.float32) * (1.0 / np.sqrt(D_HID))
    b2 = jnp.zeros((D_OUT,), dtype=jnp.float32)
    return {"x": x, "edge_index": edge_index, "W1": W1, "b1": b1, "W2": W2, "b2": b2}


def _gcn_conv(x, edge_index, W, b):
    # Faithful GCNConv: add self-loops, symmetric normalization, linear transform,
    # message = norm * x_j, scatter-add aggregation at target nodes.
    n = x.shape[0]
    loop = jnp.arange(n, dtype=edge_index.dtype)
    row = jnp.concatenate([edge_index[0], loop])  # source
    col = jnp.concatenate([edge_index[1], loop])  # target
    deg = jax.ops.segment_sum(jnp.ones_like(col, dtype=x.dtype), col, num_segments=n)
    deg_inv_sqrt = jnp.where(deg > 0, 1.0 / jnp.sqrt(deg), 0.0)
    norm = deg_inv_sqrt[row] * deg_inv_sqrt[col]
    h = x @ W
    msg = norm[:, None] * jnp.take(h, row, axis=0)
    out = jax.ops.segment_sum(msg, col, num_segments=n) + b
    return out


def reference(x, edge_index, W1, b1, W2, b2):
    h = jax.nn.relu(_gcn_conv(x, edge_index, W1, b1))
    out = _gcn_conv(h, edge_index, W2, b2)
    return out

if __name__ == "__main__":
    import jax
    _d = setup_inputs()
    print(jax.jit(kernel)(*tuple(_d.values())))

</pallas_src>

<mosaic_0001>
#map = affine_map<(d0, d1) -> (0, 0)>
module attributes {stable_mosaic.version = 14 : i64} {
  func.func @agg(%arg0: i32, %arg1: i32, %arg2: memref<20000x128xf32, #tpu.memory_space<hbm>>, %arg3: memref<6400x50xi32, #tpu.memory_space<hbm>>, %arg4: memref<3200x50xi32, #tpu.memory_space<hbm>>, %arg5: memref<20000x128xf32, #tpu.memory_space<hbm>>, %arg6: memref<10000x128xf32, #tpu.memory_space<vmem_shared>>, %arg7: memref<200x50xi32, #tpu.memory_space<vmem>>, %arg8: memref<200x50xi32, #tpu.memory_space<vmem>>, %arg9: memref<50x128xf32, #tpu.memory_space<vmem>>, %arg10: memref<50x128xf32, #tpu.memory_space<vmem>>, %arg11: memref<50x128xf32, #tpu.memory_space<vmem>>, %arg12: memref<50x128xf32, #tpu.memory_space<vmem>>, %arg13: memref<!tpu.dma_semaphore, #tpu.memory_space<semaphore_mem>>, %arg14: memref<!tpu.dma_semaphore, #tpu.memory_space<semaphore_mem>>, %arg15: memref<!tpu.dma_semaphore, #tpu.memory_space<semaphore_mem>>, %arg16: memref<!tpu.dma_semaphore, #tpu.memory_space<semaphore_mem>>, %arg17: memref<!tpu.dma_semaphore, #tpu.memory_space<semaphore_mem>>, %arg18: memref<!tpu.dma_semaphore, #tpu.memory_space<semaphore_mem>>, %arg19: memref<!tpu.dma_semaphore, #tpu.memory_space<semaphore_mem>>, %arg20: memref<!tpu.dma_semaphore, #tpu.memory_space<semaphore_mem>>) attributes {dimension_semantics = [#tpu.dimension_semantics<core_parallel>, #tpu.dimension_semantics<subcore_parallel>], iteration_bounds = array<i64: 2, 16>, scalar_prefetch = 0 : i64, scratch_operands = 15 : i64, tpu.core_type = #tpu.core_type<sc_vector_subcore>, window_params = [{transform_indices = #map}, {transform_indices = #map}, {transform_indices = #map}, {transform_indices = #map}]} {
    %mul3A = arith.constant 10000 : i32
    %mul3A_0 = arith.muli %arg0, %mul3A : i32
    %mul3A_1 = arith.constant 624 : i32
    %mul3A_2 = arith.muli %arg1, %mul3A_1 : i32
    %add3A = arith.addi %mul3A_0, %mul3A_2 : i32
    %mul3A_3 = arith.constant 624 : i32
    %mul3A_4 = arith.muli %arg1, %mul3A_3 : i32
    "tpu.region"() ({
      %run_scoped3A = tpu.sem_alloc : memref<!tpu.dma_semaphore, #tpu.memory_space<semaphore_mem>>
      %dma_start3A_127 = arith.constant 0 : i32
      %dma_start3A_128 = tpu.memref_slice %arg6[%mul3A_4, %dma_start3A_127] : memref<10000x128xf32, #tpu.memory_space<vmem_shared>> -> memref<624x128xf32, #tpu.memory_space<vmem_shared>>
      %dma_start3A_129 = arith.constant 0 : i32
      %dma_start3A_130 = tpu.memref_slice %arg2[%add3A, %dma_start3A_129] : memref<20000x128xf32, #tpu.memory_space<hbm>> -> memref<624x128xf32, #tpu.memory_space<hbm>>
      tpu.enqueue_dma source(%dma_start3A_130 : memref<624x128xf32, #tpu.memory_space<hbm>>) target(%dma_start3A_128 : memref<624x128xf32, #tpu.memory_space<vmem_shared>>) target_semaphore(%run_scoped3A : memref<!tpu.dma_semaphore, #tpu.memory_space<semaphore_mem>>)
      %dma_wait3A_131 = arith.constant 0 : i32
      %dma_wait3A_132 = tpu.memref_slice %arg6[%mul3A_4, %dma_wait3A_131] : memref<10000x128xf32, #tpu.memory_space<vmem_shared>> -> memref<624x128xf32, #tpu.memory_space<vmem_shared>>
      %dma_wait3A_133 = arith.constant 0 : i32
      %dma_wait3A_134 = tpu.memref_slice %arg2[%add3A, %dma_wait3A_133] : memref<20000x128xf32, #tpu.memory_space<hbm>> -> memref<624x128xf32, #tpu.memory_space<hbm>>
      tpu.wait_dma2 semaphore(%run_scoped3A : memref<!tpu.dma_semaphore, #tpu.memory_space<semaphore_mem>>) src(%dma_wait3A_134 : memref<624x128xf32, #tpu.memory_space<hbm>>) dst(%dma_wait3A_132 : memref<624x128xf32, #tpu.memory_space<vmem_shared>>)
      tpu.yield
    }) : () -> ()
    %eq3A = arith.constant 0 : i32
    %eq3A_5 = arith.cmpi eq, %arg1, %eq3A : i32
    %convert_element_type3A = arith.extui %eq3A_5 : i1 to i32
    %cond3A = arith.constant 0 : i32
    %cond3A_6 = arith.cmpi ne, %convert_element_type3A, %cond3A : i32
    scf.if %cond3A_6 {
      %add3A_127 = arith.constant 9984 : i32
      %add3A_128 = arith.addi %mul3A_0, %add3A_127 : i32
      "tpu.region"() ({
        %run_scoped3A = tpu.sem_alloc : memref<!tpu.dma_semaphore, #tpu.memory_space<semaphore_mem>>
        %dma_start3A_129 = arith.constant 9984 : i32
        %dma_start3A_130 = arith.constant 0 : i32
        %dma_start3A_131 = tpu.memref_slice %arg6[%dma_start3A_129, %dma_start3A_130] : memref<10000x128xf32, #tpu.memory_space<vmem_shared>> -> memref<16x128xf32, #tpu.memory_space<vmem_shared>>
        %dma_start3A_132 = arith.constant 0 : i32
        %dma_start3A_133 = tpu.memref_slice %arg2[%add3A_128, %dma_start3A_132] : memref<20000x128xf32, #tpu.memory_space<hbm>> -> memref<16x128xf32, #tpu.memory_space<hbm>>
        tpu.enqueue_dma source(%dma_start3A_133 : memref<16x128xf32, #tpu.memory_space<hbm>>) target(%dma_start3A_131 : memref<16x128xf32, #tpu.memory_space<vmem_shared>>) target_semaphore(%run_scoped3A : memref<!tpu.dma_semaphore, #tpu.memory_space<semaphore_mem>>)
        %dma_wait3A_134 = arith.constant 9984 : i32
        %dma_wait3A_135 = arith.constant 0 : i32
        %dma_wait3A_136 = tpu.memref_slice %arg6[%dma_wait3A_134, %dma_wait3A_135] : memref<10000x128xf32, #tpu.memory_space<vmem_shared>> -> memref<16x128xf32, #tpu.memory_space<vmem_shared>>
        %dma_wait3A_137 = arith.constant 0 : i32
        %dma_wait3A_138 = tpu.memref_slice %arg2[%add3A_128, %dma_wait3A_137] : memref<20000x128xf32, #tpu.memory_space<hbm>> -> memref<16x128xf32, #tpu.memory_space<hbm>>
        tpu.wait_dma2 semaphore(%run_scoped3A : memref<!tpu.dma_semaphore, #tpu.memory_space<semaphore_mem>>) src(%dma_wait3A_138 : memref<16x128xf32, #tpu.memory_space<hbm>>) dst(%dma_wait3A_136 : memref<16x128xf32, #tpu.memory_space<vmem_shared>>)
        tpu.yield
      }) : () -> ()
    } else {
    }
    %mul3A_7 = arith.constant 160000 : i32
    %mul3A_8 = arith.muli %arg0, %mul3A_7 : i32
    %mul3A_9 = arith.constant 10000 : i32
    %mul3A_10 = arith.muli %arg1, %mul3A_9 : i32
    %add3A_11 = arith.addi %mul3A_8, %mul3A_10 : i32
    %jit3A = arith.constant 50 : i32
    %div3A = arith.divsi %add3A_11, %jit3A : i32
    %sign3A = arith.constant 0 : i32
    %sign3A_12 = arith.cmpi sgt, %add3A_11, %sign3A : i32
    %sign3A_13 = arith.extui %sign3A_12 : i1 to i32
    %sign3A_14 = arith.constant 0 : i32
    %sign3A_15 = arith.cmpi slt, %add3A_11, %sign3A_14 : i32
    %sign3A_16 = arith.extui %sign3A_15 : i1 to i32
    %sign3A_17 = arith.subi %sign3A_13, %sign3A_16 : i32
    %sign3A_18 = arith.constant 0 : i32
    %sign3A_19 = arith.cmpi sgt, %jit3A, %sign3A_18 : i32
    %sign3A_20 = arith.extui %sign3A_19 : i1 to i32
    %sign3A_21 = arith.constant 0 : i32
    %sign3A_22 = arith.cmpi slt, %jit3A, %sign3A_21 : i32
    %sign3A_23 = arith.extui %sign3A_22 : i1 to i32
    %sign3A_24 = arith.subi %sign3A_20, %sign3A_23 : i32
    %ne3A = arith.cmpi ne, %sign3A_17, %sign3A_24 : i32
    %rem3A = arith.remsi %add3A_11, %jit3A : i32
    %ne3A_25 = arith.constant 0 : i32
    %ne3A_26 = arith.cmpi ne, %rem3A, %ne3A_25 : i32
    %and3A = arith.andi %ne3A, %ne3A_26 : i1
    %sub3A = arith.constant 1 : i32
    %sub3A_27 = arith.subi %div3A, %sub3A : i32
    %select_n3A = arith.select %and3A, %sub3A_27, %div3A : i32
    %mul3A_28 = arith.constant 10000 : i32
    %mul3A_29 = arith.muli %arg1, %mul3A_28 : i32
    %jit3A_30 = arith.constant 50 : i32
    %div3A_31 = arith.divsi %mul3A_29, %jit3A_30 : i32
    %sign3A_32 = arith.constant 0 : i32
    %sign3A_33 = arith.cmpi sgt, %mul3A_29, %sign3A_32 : i32
    %sign3A_34 = arith.extui %sign3A_33 : i1 to i32
    %sign3A_35 = arith.constant 0 : i32
    %sign3A_36 = arith.cmpi slt, %mul3A_29, %sign3A_35 : i32
    %sign3A_37 = arith.extui %sign3A_36 : i1 to i32
    %sign3A_38 = arith.subi %sign3A_34, %sign3A_37 : i32
    %sign3A_39 = arith.constant 0 : i32
    %sign3A_40 = arith.cmpi sgt, %jit3A_30, %sign3A_39 : i32
    %sign3A_41 = arith.extui %sign3A_40 : i1 to i32
    %sign3A_42 = arith.constant 0 : i32
    %sign3A_43 = arith.cmpi slt, %jit3A_30, %sign3A_42 : i32
    %sign3A_44 = arith.extui %sign3A_43 : i1 to i32
    %sign3A_45 = arith.subi %sign3A_41, %sign3A_44 : i32
    %ne3A_46 = arith.cmpi ne, %sign3A_38, %sign3A_45 : i32
    %rem3A_47 = arith.remsi %mul3A_29, %jit3A_30 : i32
    %ne3A_48 = arith.constant 0 : i32
    %ne3A_49 = arith.cmpi ne, %rem3A_47, %ne3A_48 : i32
    %and3A_50 = arith.andi %ne3A_46, %ne3A_49 : i1
    %sub3A_51 = arith.constant 1 : i32
    %sub3A_52 = arith.subi %div3A_31, %sub3A_51 : i32
    %select_n3A_53 = arith.select %and3A_50, %sub3A_52, %div3A_31 : i32
    "tpu.region"() ({
      %run_scoped3A = tpu.sem_alloc : memref<!tpu.dma_semaphore, #tpu.memory_space<semaphore_mem>>
      %dma_start3A_127 = arith.constant 0 : i32
      %dma_start3A_128 = tpu.memref_slice %arg3[%select_n3A, %dma_start3A_127] : memref<6400x50xi32, #tpu.memory_space<hbm>> -> memref<200x50xi32, #tpu.memory_space<hbm>>
      %dma_start3A_129 = arith.constant 0 : i32
      %dma_start3A_130 = tpu.memref_slice %arg3[%select_n3A, %dma_start3A_129] : memref<6400x50xi32, #tpu.memory_space<hbm>> -> memref<200x50xi32, #tpu.memory_space<hbm>>
      tpu.enqueue_dma source(%dma_start3A_130 : memref<200x50xi32, #tpu.memory_space<hbm>>) target(%arg7 : memref<200x50xi32, #tpu.memory_space<vmem>>) target_semaphore(%run_scoped3A : memref<!tpu.dma_semaphore, #tpu.memory_space<semaphore_mem>>)
      %dma_wait3A_131 = arith.constant 0 : i32
      %dma_wait3A_132 = tpu.memref_slice %arg3[%select_n3A, %dma_wait3A_131] : memref<6400x50xi32, #tpu.memory_space<hbm>> -> memref<200x50xi32, #tpu.memory_space<hbm>>
      %dma_wait3A_133 = arith.constant 0 : i32
      %dma_wait3A_134 = tpu.memref_slice %arg3[%select_n3A, %dma_wait3A_133] : memref<6400x50xi32, #tpu.memory_space<hbm>> -> memref<200x50xi32, #tpu.memory_space<hbm>>
      tpu.wait_dma2 semaphore(%run_scoped3A : memref<!tpu.dma_semaphore, #tpu.memory_space<semaphore_mem>>) src(%dma_wait3A_134 : memref<200x50xi32, #tpu.memory_space<hbm>>) dst(%arg7 : memref<200x50xi32, #tpu.memory_space<vmem>>)
      tpu.yield
    }) : () -> ()
    "tpu.region"() ({
      %run_scoped3A = tpu.sem_alloc : memref<!tpu.dma_semaphore, #tpu.memory_space<semaphore_mem>>
      %dma_start3A_127 = arith.constant 0 : i32
      %dma_start3A_128 = tpu.memref_slice %arg4[%select_n3A_53, %dma_start3A_127] : memref<3200x50xi32, #tpu.memory_space<hbm>> -> memref<200x50xi32, #tpu.memory_space<hbm>>
      %dma_start3A_129 = arith.constant 0 : i32
      %dma_start3A_130 = tpu.memref_slice %arg4[%select_n3A_53, %dma_start3A_129] : memref<3200x50xi32, #tpu.memory_space<hbm>> -> memref<200x50xi32, #tpu.memory_space<hbm>>
      tpu.enqueue_dma source(%dma_start3A_130 : memref<200x50xi32, #tpu.memory_space<hbm>>) target(%arg8 : memref<200x50xi32, #tpu.memory_space<vmem>>) target_semaphore(%run_scoped3A : memref<!tpu.dma_semaphore, #tpu.memory_space<semaphore_mem>>)
      %dma_wait3A_131 = arith.constant 0 : i32
      %dma_wait3A_132 = tpu.memref_slice %arg4[%select_n3A_53, %dma_wait3A_131] : memref<3200x50xi32, #tpu.memory_space<hbm>> -> memref<200x50xi32, #tpu.memory_space<hbm>>
      %dma_wait3A_133 = arith.constant 0 : i32
      %dma_wait3A_134 = tpu.memref_slice %arg4[%select_n3A_53, %dma_wait3A_133] : memref<3200x50xi32, #tpu.memory_space<hbm>> -> memref<200x50xi32, #tpu.memory_space<hbm>>
      tpu.wait_dma2 semaphore(%run_scoped3A : memref<!tpu.dma_semaphore, #tpu.memory_space<semaphore_mem>>) src(%dma_wait3A_134 : memref<200x50xi32, #tpu.memory_space<hbm>>) dst(%arg8 : memref<200x50xi32, #tpu.memory_space<vmem>>)
      tpu.yield
    }) : () -> ()
    %barrier3A = arith.constant 0 : index
    tpu.barrier barrier_id(%barrier3A)
    %dma_start3A = arith.constant 0 : i32
    %dma_start3A_54 = arith.constant 0 : i32
    %dma_start3A_55 = tpu.memref_slice %arg7[%dma_start3A, %dma_start3A_54] : memref<200x50xi32, #tpu.memory_space<vmem>> -> memref<1x50xi32, #tpu.memory_space<vmem>>
    %dma_start3A_56 = tpu.memref_squeeze %dma_start3A_55 : memref<1x50xi32, #tpu.memory_space<vmem>> -> memref<50xi32, #tpu.memory_space<vmem>>
    %dma_start3A_57 = arith.constant 0 : i32
    %dma_start3A_58 = arith.constant 0 : i32
    %dma_start3A_59 = tpu.memref_slice %arg2[%dma_start3A_57, %dma_start3A_58] : memref<20000x128xf32, #tpu.memory_space<hbm>> -> memref<20000x128xf32, #tpu.memory_space<hbm>>
    tpu.enqueue_indirect_dma source(%dma_start3A_59 : memref<20000x128xf32, #tpu.memory_space<hbm>>) target(%arg9 : memref<50x128xf32, #tpu.memory_space<vmem>>) offsets(%dma_start3A_56 : memref<50xi32, #tpu.memory_space<vmem>>) semaphore(%arg13 : memref<!tpu.dma_semaphore, #tpu.memory_space<semaphore_mem>>)
    %dma_start3A_60 = arith.constant 1 : i32
    %dma_start3A_61 = arith.constant 0 : i32
    %dma_start3A_62 = tpu.memref_slice %arg7[%dma_start3A_60, %dma_start3A_61] : memref<200x50xi32, #tpu.memory_space<vmem>> -> memref<1x50xi32, #tpu.memory_space<vmem>>
    %dma_start3A_63 = tpu.memref_squeeze %dma_start3A_62 : memref<1x50xi32, #tpu.memory_space<vmem>> -> memref<50xi32, #tpu.memory_space<vmem>>
    %dma_start3A_64 = arith.constant 0 : i32
    %dma_start3A_65 = arith.constant 0 : i32
    %dma_start3A_66 = tpu.memref_slice %arg2[%dma_start3A_64, %dma_start3A_65] : memref<20000x128xf32, #tpu.memory_space<hbm>> -> memref<20000x128xf32, #tpu.memory_space<hbm>>
    tpu.enqueue_indirect_dma source(%dma_start3A_66 : memref<20000x128xf32, #tpu.memory_space<hbm>>) target(%arg10 : memref<50x128xf32, #tpu.memory_space<vmem>>) offsets(%dma_start3A_63 : memref<50xi32, #tpu.memory_space<vmem>>) semaphore(%arg14 : memref<!tpu.dma_semaphore, #tpu.memory_space<semaphore_mem>>)
    %dma_start3A_67 = arith.constant 2 : i32
    %dma_start3A_68 = arith.constant 0 : i32
    %dma_start3A_69 = tpu.memref_slice %arg7[%dma_start3A_67, %dma_start3A_68] : memref<200x50xi32, #tpu.memory_space<vmem>> -> memref<1x50xi32, #tpu.memory_space<vmem>>
    %dma_start3A_70 = tpu.memref_squeeze %dma_start3A_69 : memref<1x50xi32, #tpu.memory_space<vmem>> -> memref<50xi32, #tpu.memory_space<vmem>>
    %dma_start3A_71 = arith.constant 0 : i32
    %dma_start3A_72 = arith.constant 0 : i32
    %dma_start3A_73 = tpu.memref_slice %arg2[%dma_start3A_71, %dma_start3A_72] : memref<20000x128xf32, #tpu.memory_space<hbm>> -> memref<20000x128xf32, #tpu.memory_space<hbm>>
    tpu.enqueue_indirect_dma source(%dma_start3A_73 : memref<20000x128xf32, #tpu.memory_space<hbm>>) target(%arg11 : memref<50x128xf32, #tpu.memory_space<vmem>>) offsets(%dma_start3A_70 : memref<50xi32, #tpu.memory_space<vmem>>) semaphore(%arg15 : memref<!tpu.dma_semaphore, #tpu.memory_space<semaphore_mem>>)
    %dma_start3A_74 = arith.constant 3 : i32
    %dma_start3A_75 = arith.constant 0 : i32
    %dma_start3A_76 = tpu.memref_slice %arg7[%dma_start3A_74, %dma_start3A_75] : memref<200x50xi32, #tpu.memory_space<vmem>> -> memref<1x50xi32, #tpu.memory_space<vmem>>
    %dma_start3A_77 = tpu.memref_squeeze %dma_start3A_76 : memref<1x50xi32, #tpu.memory_space<vmem>> -> memref<50xi32, #tpu.memory_space<vmem>>
    %dma_start3A_78 = arith.constant 0 : i32
    %dma_start3A_79 = arith.constant 0 : i32
    %dma_start3A_80 = tpu.memref_slice %arg2[%dma_start3A_78, %dma_start3A_79] : memref<20000x128xf32, #tpu.memory_space<hbm>> -> memref<20000x128xf32, #tpu.memory_space<hbm>>
    tpu.enqueue_indirect_dma source(%dma_start3A_80 : memref<20000x128xf32, #tpu.memory_space<hbm>>) target(%arg12 : memref<50x128xf32, #tpu.memory_space<vmem>>) offsets(%dma_start3A_77 : memref<50xi32, #tpu.memory_space<vmem>>) semaphore(%arg16 : memref<!tpu.dma_semaphore, #tpu.memory_space<semaphore_mem>>)
    %scan3A = arith.constant 0 : i32
    %scan3A_81 = arith.constant 0 : i32
    %scan3A_82 = arith.constant 50 : i32
    %scan3A_83 = arith.addi %scan3A_81, %scan3A_82 : i32
    %scan3A_84 = arith.constant 1 : i32
    %scan3A_85 = scf.for %scan3A_127 = %scan3A_81 to %scan3A_83 step %scan3A_84 iter_args(%scan3A_128 = %scan3A) -> (i32)  : i32 {
      %mul3A_129 = arith.constant 4 : i32
      %mul3A_130 = arith.muli %scan3A_127, %mul3A_129 : i32
      %add3A_131 = arith.constant 0 : i32
      %add3A_132 = arith.addi %mul3A_130, %add3A_131 : i32
      %dma_wait3A_133 = arith.constant 0 : i32
      %dma_wait3A_134 = tpu.memref_slice %arg7[%add3A_132, %dma_wait3A_133] : memref<200x50xi32, #tpu.memory_space<vmem>> -> memref<1x50xi32, #tpu.memory_space<vmem>>
      %dma_wait3A_135 = tpu.memref_squeeze %dma_wait3A_134 : memref<1x50xi32, #tpu.memory_space<vmem>> -> memref<50xi32, #tpu.memory_space<vmem>>
      %dma_wait3A_136 = arith.constant 0 : i32
      %dma_wait3A_137 = arith.constant 0 : i32
      %dma_wait3A_138 = tpu.memref_slice %arg2[%dma_wait3A_136, %dma_wait3A_137] : memref<20000x128xf32, #tpu.memory_space<hbm>> -> memref<20000x128xf32, #tpu.memory_space<hbm>>
      tpu.wait_indirect_dma semaphore(%arg13 : memref<!tpu.dma_semaphore, #tpu.memory_space<semaphore_mem>>) src(%dma_wait3A_138 : memref<20000x128xf32, #tpu.memory_space<hbm>>) dst(%arg9 : memref<50x128xf32, #tpu.memory_space<vmem>>)
      %dma_start3A_139 = arith.constant 0 : i32
      %dma_start3A_140 = tpu.memref_slice %arg8[%add3A_132, %dma_start3A_139] : memref<200x50xi32, #tpu.memory_space<vmem>> -> memref<1x50xi32, #tpu.memory_space<vmem>>
      %dma_start3A_141 = tpu.memref_squeeze %dma_start3A_140 : memref<1x50xi32, #tpu.memory_space<vmem>> -> memref<50xi32, #tpu.memory_space<vmem>>
      %dma_start3A_142 = arith.constant 0 : i32
      %dma_start3A_143 = arith.constant 0 : i32
      %dma_start3A_144 = tpu.memref_slice %arg6[%dma_start3A_142, %dma_start3A_143] : memref<10000x128xf32, #tpu.memory_space<vmem_shared>> -> memref<10000x128xf32, #tpu.memory_space<vmem_shared>>
      tpu.enqueue_indirect_dma source(%arg9 : memref<50x128xf32, #tpu.memory_space<vmem>>) target(%dma_start3A_144 : memref<10000x128xf32, #tpu.memory_space<vmem_shared>>) offsets(%dma_start3A_141 : memref<50xi32, #tpu.memory_space<vmem>>) semaphore(%arg17 : memref<!tpu.dma_semaphore, #tpu.memory_space<semaphore_mem>>) {add = true}
      %lt3A = arith.constant 49 : i32
      %lt3A_145 = arith.cmpi slt, %scan3A_127, %lt3A : i32
      %convert_element_type3A_146 = arith.extui %lt3A_145 : i1 to i32
      %cond3A_147 = arith.constant 0 : i32
      %cond3A_148 = arith.cmpi ne, %convert_element_type3A_146, %cond3A_147 : i32
      scf.if %cond3A_148 {
        %dma_wait3A_207 = arith.constant 0 : i32
        %dma_wait3A_208 = tpu.memref_slice %arg8[%add3A_132, %dma_wait3A_207] : memref<200x50xi32, #tpu.memory_space<vmem>> -> memref<1x50xi32, #tpu.memory_space<vmem>>
        %dma_wait3A_209 = tpu.memref_squeeze %dma_wait3A_208 : memref<1x50xi32, #tpu.memory_space<vmem>> -> memref<50xi32, #tpu.memory_space<vmem>>
        %dma_wait3A_210 = arith.constant 0 : i32
        %dma_wait3A_211 = arith.constant 0 : i32
        %dma_wait3A_212 = tpu.memref_slice %arg6[%dma_wait3A_210, %dma_wait3A_211] : memref<10000x128xf32, #tpu.memory_space<vmem_shared>> -> memref<10000x128xf32, #tpu.memory_space<vmem_shared>>
        tpu.wait_indirect_dma semaphore(%arg17 : memref<!tpu.dma_semaphore, #tpu.memory_space<semaphore_mem>>) src(%arg9 : memref<50x128xf32, #tpu.memory_space<vmem>>) dst(%dma_wait3A_212 : memref<10000x128xf32, #tpu.memory_space<vmem_shared>>)
        %add3A_213 = arith.constant 4 : i32
        %add3A_214 = arith.addi %add3A_132, %add3A_213 : i32
        %dma_start3A_215 = arith.constant 0 : i32
        %dma_start3A_216 = tpu.memref_slice %arg7[%add3A_214, %dma_start3A_215] : memref<200x50xi32, #tpu.memory_space<vmem>> -> memref<1x50xi32, #tpu.memory_space<vmem>>
        %dma_start3A_217 = tpu.memref_squeeze %dma_start3A_216 : memref<1x50xi32, #tpu.memory_space<vmem>> -> memref<50xi32, #tpu.memory_space<vmem>>
        %dma_start3A_218 = arith.constant 0 : i32
        %dma_start3A_219 = arith.constant 0 : i32
        %dma_start3A_220 = tpu.memref_slice %arg2[%dma_start3A_218, %dma_start3A_219] : memref<20000x128xf32, #tpu.memory_space<hbm>> -> memref<20000x128xf32, #tpu.memory_space<hbm>>
        tpu.enqueue_indirect_dma source(%dma_start3A_220 : memref<20000x128xf32, #tpu.memory_space<hbm>>) target(%arg9 : memref<50x128xf32, #tpu.memory_space<vmem>>) offsets(%dma_start3A_217 : memref<50xi32, #tpu.memory_space<vmem>>) semaphore(%arg13 : memref<!tpu.dma_semaphore, #tpu.memory_space<semaphore_mem>>)
      } else {
      }
      %add3A_149 = arith.constant 1 : i32
      %add3A_150 = arith.addi %mul3A_130, %add3A_149 : i32
      %dma_wait3A_151 = arith.constant 0 : i32
      %dma_wait3A_152 = tpu.memref_slice %arg7[%add3A_150, %dma_wait3A_151] : memref<200x50xi32, #tpu.memory_space<vmem>> -> memref<1x50xi32, #tpu.memory_space<vmem>>
      %dma_wait3A_153 = tpu.memref_squeeze %dma_wait3A_152 : memref<1x50xi32, #tpu.memory_space<vmem>> -> memref<50xi32, #tpu.memory_space<vmem>>
      %dma_wait3A_154 = arith.constant 0 : i32
      %dma_wait3A_155 = arith.constant 0 : i32
      %dma_wait3A_156 = tpu.memref_slice %arg2[%dma_wait3A_154, %dma_wait3A_155] : memref<20000x128xf32, #tpu.memory_space<hbm>> -> memref<20000x128xf32, #tpu.memory_space<hbm>>
      tpu.wait_indirect_dma semaphore(%arg14 : memref<!tpu.dma_semaphore, #tpu.memory_space<semaphore_mem>>) src(%dma_wait3A_156 : memref<20000x128xf32, #tpu.memory_space<hbm>>) dst(%arg10 : memref<50x128xf32, #tpu.memory_space<vmem>>)
      %dma_start3A_157 = arith.constant 0 : i32
      %dma_start3A_158 = tpu.memref_slice %arg8[%add3A_150, %dma_start3A_157] : memref<200x50xi32, #tpu.memory_space<vmem>> -> memref<1x50xi32, #tpu.memory_space<vmem>>
      %dma_start3A_159 = tpu.memref_squeeze %dma_start3A_158 : memref<1x50xi32, #tpu.memory_space<vmem>> -> memref<50xi32, #tpu.memory_space<vmem>>
      %dma_start3A_160 = arith.constant 0 : i32
      %dma_start3A_161 = arith.constant 0 : i32
      %dma_start3A_162 = tpu.memref_slice %arg6[%dma_start3A_160, %dma_start3A_161] : memref<10000x128xf32, #tpu.memory_space<vmem_shared>> -> memref<10000x128xf32, #tpu.memory_space<vmem_shared>>
      tpu.enqueue_indirect_dma source(%arg10 : memref<50x128xf32, #tpu.memory_space<vmem>>) target(%dma_start3A_162 : memref<10000x128xf32, #tpu.memory_space<vmem_shared>>) offsets(%dma_start3A_159 : memref<50xi32, #tpu.memory_space<vmem>>) semaphore(%arg18 : memref<!tpu.dma_semaphore, #tpu.memory_space<semaphore_mem>>) {add = true}
      %lt3A_163 = arith.constant 49 : i32
      %lt3A_164 = arith.cmpi slt, %scan3A_127, %lt3A_163 : i32
      %convert_element_type3A_165 = arith.extui %lt3A_164 : i1 to i32
      %cond3A_166 = arith.constant 0 : i32
      %cond3A_167 = arith.cmpi ne, %convert_element_type3A_165, %cond3A_166 : i32
      scf.if %cond3A_167 {
        %dma_wait3A_207 = arith.constant 0 : i32
        %dma_wait3A_208 = tpu.memref_slice %arg8[%add3A_150, %dma_wait3A_207] : memref<200x50xi32, #tpu.memory_space<vmem>> -> memref<1x50xi32, #tpu.memory_space<vmem>>
        %dma_wait3A_209 = tpu.memref_squeeze %dma_wait3A_208 : memref<1x50xi32, #tpu.memory_space<vmem>> -> memref<50xi32, #tpu.memory_space<vmem>>
        %dma_wait3A_210 = arith.constant 0 : i32
        %dma_wait3A_211 = arith.constant 0 : i32
        %dma_wait3A_212 = tpu.memref_slice %arg6[%dma_wait3A_210, %dma_wait3A_211] : memref<10000x128xf32, #tpu.memory_space<vmem_shared>> -> memref<10000x128xf32, #tpu.memory_space<vmem_shared>>
        tpu.wait_indirect_dma semaphore(%arg18 : memref<!tpu.dma_semaphore, #tpu.memory_space<semaphore_mem>>) src(%arg10 : memref<50x128xf32, #tpu.memory_space<vmem>>) dst(%dma_wait3A_212 : memref<10000x128xf32, #tpu.memory_space<vmem_shared>>)
        %add3A_213 = arith.constant 4 : i32
        %add3A_214 = arith.addi %add3A_150, %add3A_213 : i32
        %dma_start3A_215 = arith.constant 0 : i32
        %dma_start3A_216 = tpu.memref_slice %arg7[%add3A_214, %dma_start3A_215] : memref<200x50xi32, #tpu.memory_space<vmem>> -> memref<1x50xi32, #tpu.memory_space<vmem>>
        %dma_start3A_217 = tpu.memref_squeeze %dma_start3A_216 : memref<1x50xi32, #tpu.memory_space<vmem>> -> memref<50xi32, #tpu.memory_space<vmem>>
        %dma_start3A_218 = arith.constant 0 : i32
        %dma_start3A_219 = arith.constant 0 : i32
        %dma_start3A_220 = tpu.memref_slice %arg2[%dma_start3A_218, %dma_start3A_219] : memref<20000x128xf32, #tpu.memory_space<hbm>> -> memref<20000x128xf32, #tpu.memory_space<hbm>>
        tpu.enqueue_indirect_dma source(%dma_start3A_220 : memref<20000x128xf32, #tpu.memory_space<hbm>>) target(%arg10 : memref<50x128xf32, #tpu.memory_space<vmem>>) offsets(%dma_start3A_217 : memref<50xi32, #tpu.memory_space<vmem>>) semaphore(%arg14 : memref<!tpu.dma_semaphore, #tpu.memory_space<semaphore_mem>>)
      } else {
      }
      %add3A_168 = arith.constant 2 : i32
      %add3A_169 = arith.addi %mul3A_130, %add3A_168 : i32
      %dma_wait3A_170 = arith.constant 0 : i32
      %dma_wait3A_171 = tpu.memref_slice %arg7[%add3A_169, %dma_wait3A_170] : memref<200x50xi32, #tpu.memory_space<vmem>> -> memref<1x50xi32, #tpu.memory_space<vmem>>
      %dma_wait3A_172 = tpu.memref_squeeze %dma_wait3A_171 : memref<1x50xi32, #tpu.memory_space<vmem>> -> memref<50xi32, #tpu.memory_space<vmem>>
      %dma_wait3A_173 = arith.constant 0 : i32
      %dma_wait3A_174 = arith.constant 0 : i32
      %dma_wait3A_175 = tpu.memref_slice %arg2[%dma_wait3A_173, %dma_wait3A_174] : memref<20000x128xf32, #tpu.memory_space<hbm>> -> memref<20000x128xf32, #tpu.memory_space<hbm>>
      tpu.wait_indirect_dma semaphore(%arg15 : memref<!tpu.dma_semaphore, #tpu.memory_space<semaphore_mem>>) src(%dma_wait3A_175 : memref<20000x128xf32, #tpu.memory_space<hbm>>) dst(%arg11 : memref<50x128xf32, #tpu.memory_space<vmem>>)
      %dma_start3A_176 = arith.constant 0 : i32
      %dma_start3A_177 = tpu.memref_slice %arg8[%add3A_169, %dma_start3A_176] : memref<200x50xi32, #tpu.memory_space<vmem>> -> memref<1x50xi32, #tpu.memory_space<vmem>>
      %dma_start3A_178 = tpu.memref_squeeze %dma_start3A_177 : memref<1x50xi32, #tpu.memory_space<vmem>> -> memref<50xi32, #tpu.memory_space<vmem>>
      %dma_start3A_179 = arith.constant 0 : i32
      %dma_start3A_180 = arith.constant 0 : i32
      %dma_start3A_181 = tpu.memref_slice %arg6[%dma_start3A_179, %dma_start3A_180] : memref<10000x128xf32, #tpu.memory_space<vmem_shared>> -> memref<10000x128xf32, #tpu.memory_space<vmem_shared>>
      tpu.enqueue_indirect_dma source(%arg11 : memref<50x128xf32, #tpu.memory_space<vmem>>) target(%dma_start3A_181 : memref<10000x128xf32, #tpu.memory_space<vmem_shared>>) offsets(%dma_start3A_178 : memref<50xi32, #tpu.memory_space<vmem>>) semaphore(%arg19 : memref<!tpu.dma_semaphore, #tpu.memory_space<semaphore_mem>>) {add = true}
      %lt3A_182 = arith.constant 49 : i32
      %lt3A_183 = arith.cmpi slt, %scan3A_127, %lt3A_182 : i32
      %convert_element_type3A_184 = arith.extui %lt3A_183 : i1 to i32
      %cond3A_185 = arith.constant 0 : i32
      %cond3A_186 = arith.cmpi ne, %convert_element_type3A_184, %cond3A_185 : i32
      scf.if %cond3A_186 {
        %dma_wait3A_207 = arith.constant 0 : i32
        %dma_wait3A_208 = tpu.memref_slice %arg8[%add3A_169, %dma_wait3A_207] : memref<200x50xi32, #tpu.memory_space<vmem>> -> memref<1x50xi32, #tpu.memory_space<vmem>>
        %dma_wait3A_209 = tpu.memref_squeeze %dma_wait3A_208 : memref<1x50xi32, #tpu.memory_space<vmem>> -> memref<50xi32, #tpu.memory_space<vmem>>
        %dma_wait3A_210 = arith.constant 0 : i32
        %dma_wait3A_211 = arith.constant 0 : i32
        %dma_wait3A_212 = tpu.memref_slice %arg6[%dma_wait3A_210, %dma_wait3A_211] : memref<10000x128xf32, #tpu.memory_space<vmem_shared>> -> memref<10000x128xf32, #tpu.memory_space<vmem_shared>>
        tpu.wait_indirect_dma semaphore(%arg19 : memref<!tpu.dma_semaphore, #tpu.memory_space<semaphore_mem>>) src(%arg11 : memref<50x128xf32, #tpu.memory_space<vmem>>) dst(%dma_wait3A_212 : memref<10000x128xf32, #tpu.memory_space<vmem_shared>>)
        %add3A_213 = arith.constant 4 : i32
        %add3A_214 = arith.addi %add3A_169, %add3A_213 : i32
        %dma_start3A_215 = arith.constant 0 : i32
        %dma_start3A_216 = tpu.memref_slice %arg7[%add3A_214, %dma_start3A_215] : memref<200x50xi32, #tpu.memory_space<vmem>> -> memref<1x50xi32, #tpu.memory_space<vmem>>
        %dma_start3A_217 = tpu.memref_squeeze %dma_start3A_216 : memref<1x50xi32, #tpu.memory_space<vmem>> -> memref<50xi32, #tpu.memory_space<vmem>>
        %dma_start3A_218 = arith.constant 0 : i32
        %dma_start3A_219 = arith.constant 0 : i32
        %dma_start3A_220 = tpu.memref_slice %arg2[%dma_start3A_218, %dma_start3A_219] : memref<20000x128xf32, #tpu.memory_space<hbm>> -> memref<20000x128xf32, #tpu.memory_space<hbm>>
        tpu.enqueue_indirect_dma source(%dma_start3A_220 : memref<20000x128xf32, #tpu.memory_space<hbm>>) target(%arg11 : memref<50x128xf32, #tpu.memory_space<vmem>>) offsets(%dma_start3A_217 : memref<50xi32, #tpu.memory_space<vmem>>) semaphore(%arg15 : memref<!tpu.dma_semaphore, #tpu.memory_space<semaphore_mem>>)
      } else {
      }
      %add3A_187 = arith.constant 3 : i32
      %add3A_188 = arith.addi %mul3A_130, %add3A_187 : i32
      %dma_wait3A_189 = arith.constant 0 : i32
      %dma_wait3A_190 = tpu.memref_slice %arg7[%add3A_188, %dma_wait3A_189] : memref<200x50xi32, #tpu.memory_space<vmem>> -> memref<1x50xi32, #tpu.memory_space<vmem>>
      %dma_wait3A_191 = tpu.memref_squeeze %dma_wait3A_190 : memref<1x50xi32, #tpu.memory_space<vmem>> -> memref<50xi32, #tpu.memory_space<vmem>>
      %dma_wait3A_192 = arith.constant 0 : i32
      %dma_wait3A_193 = arith.constant 0 : i32
      %dma_wait3A_194 = tpu.memref_slice %arg2[%dma_wait3A_192, %dma_wait3A_193] : memref<20000x128xf32, #tpu.memory_space<hbm>> -> memref<20000x128xf32, #tpu.memory_space<hbm>>
      tpu.wait_indirect_dma semaphore(%arg16 : memref<!tpu.dma_semaphore, #tpu.memory_space<semaphore_mem>>) src(%dma_wait3A_194 : memref<20000x128xf32, #tpu.memory_space<hbm>>) dst(%arg12 : memref<50x128xf32, #tpu.memory_space<vmem>>)
      %dma_start3A_195 = arith.constant 0 : i32
      %dma_start3A_196 = tpu.memref_slice %arg8[%add3A_188, %dma_start3A_195] : memref<200x50xi32, #tpu.memory_space<vmem>> -> memref<1x50xi32, #tpu.memory_space<vmem>>
      %dma_start3A_197 = tpu.memref_squeeze %dma_start3A_196 : memref<1x50xi32, #tpu.memory_space<vmem>> -> memref<50xi32, #tpu.memory_space<vmem>>
      %dma_start3A_198 = arith.constant 0 : i32
      %dma_start3A_199 = arith.constant 0 : i32
      %dma_start3A_200 = tpu.memref_slice %arg6[%dma_start3A_198, %dma_start3A_199] : memref<10000x128xf32, #tpu.memory_space<vmem_shared>> -> memref<10000x128xf32, #tpu.memory_space<vmem_shared>>
      tpu.enqueue_indirect_dma source(%arg12 : memref<50x128xf32, #tpu.memory_space<vmem>>) target(%dma_start3A_200 : memref<10000x128xf32, #tpu.memory_space<vmem_shared>>) offsets(%dma_start3A_197 : memref<50xi32, #tpu.memory_space<vmem>>) semaphore(%arg20 : memref<!tpu.dma_semaphore, #tpu.memory_space<semaphore_mem>>) {add = true}
      %lt3A_201 = arith.constant 49 : i32
      %lt3A_202 = arith.cmpi slt, %scan3A_127, %lt3A_201 : i32
      %convert_element_type3A_203 = arith.extui %lt3A_202 : i1 to i32
      %cond3A_204 = arith.constant 0 : i32
      %cond3A_205 = arith.cmpi ne, %convert_element_type3A_203, %cond3A_204 : i32
      scf.if %cond3A_205 {
        %dma_wait3A_207 = arith.constant 0 : i32
        %dma_wait3A_208 = tpu.memref_slice %arg8[%add3A_188, %dma_wait3A_207] : memref<200x50xi32, #tpu.memory_space<vmem>> -> memref<1x50xi32, #tpu.memory_space<vmem>>
        %dma_wait3A_209 = tpu.memref_squeeze %dma_wait3A_208 : memref<1x50xi32, #tpu.memory_space<vmem>> -> memref<50xi32, #tpu.memory_space<vmem>>
        %dma_wait3A_210 = arith.constant 0 : i32
        %dma_wait3A_211 = arith.constant 0 : i32
        %dma_wait3A_212 = tpu.memref_slice %arg6[%dma_wait3A_210, %dma_wait3A_211] : memref<10000x128xf32, #tpu.memory_space<vmem_shared>> -> memref<10000x128xf32, #tpu.memory_space<vmem_shared>>
        tpu.wait_indirect_dma semaphore(%arg20 : memref<!tpu.dma_semaphore, #tpu.memory_space<semaphore_mem>>) src(%arg12 : memref<50x128xf32, #tpu.memory_space<vmem>>) dst(%dma_wait3A_212 : memref<10000x128xf32, #tpu.memory_space<vmem_shared>>)
        %add3A_213 = arith.constant 4 : i32
        %add3A_214 = arith.addi %add3A_188, %add3A_213 : i32
        %dma_start3A_215 = arith.constant 0 : i32
        %dma_start3A_216 = tpu.memref_slice %arg7[%add3A_214, %dma_start3A_215] : memref<200x50xi32, #tpu.memory_space<vmem>> -> memref<1x50xi32, #tpu.memory_space<vmem>>
        %dma_start3A_217 = tpu.memref_squeeze %dma_start3A_216 : memref<1x50xi32, #tpu.memory_space<vmem>> -> memref<50xi32, #tpu.memory_space<vmem>>
        %dma_start3A_218 = arith.constant 0 : i32
        %dma_start3A_219 = arith.constant 0 : i32
        %dma_start3A_220 = tpu.memref_slice %arg2[%dma_start3A_218, %dma_start3A_219] : memref<20000x128xf32, #tpu.memory_space<hbm>> -> memref<20000x128xf32, #tpu.memory_space<hbm>>
        tpu.enqueue_indirect_dma source(%dma_start3A_220 : memref<20000x128xf32, #tpu.memory_space<hbm>>) target(%arg12 : memref<50x128xf32, #tpu.memory_space<vmem>>) offsets(%dma_start3A_217 : memref<50xi32, #tpu.memory_space<vmem>>) semaphore(%arg16 : memref<!tpu.dma_semaphore, #tpu.memory_space<semaphore_mem>>)
      } else {
      }
      %scan3A_206 = arith.constant 0 : i32
      scf.yield %scan3A_206 : i32
    }
    %scan3A_86 = arith.constant 50 : i32
    %dma_wait3A = arith.constant 196 : i32
    %dma_wait3A_87 = arith.constant 0 : i32
    %dma_wait3A_88 = tpu.memref_slice %arg8[%dma_wait3A, %dma_wait3A_87] : memref<200x50xi32, #tpu.memory_space<vmem>> -> memref<1x50xi32, #tpu.memory_space<vmem>>
    %dma_wait3A_89 = tpu.memref_squeeze %dma_wait3A_88 : memref<1x50xi32, #tpu.memory_space<vmem>> -> memref<50xi32, #tpu.memory_space<vmem>>
    %dma_wait3A_90 = arith.constant 0 : i32
    %dma_wait3A_91 = arith.constant 0 : i32
    %dma_wait3A_92 = tpu.memref_slice %arg6[%dma_wait3A_90, %dma_wait3A_91] : memref<10000x128xf32, #tpu.memory_space<vmem_shared>> -> memref<10000x128xf32, #tpu.memory_space<vmem_shared>>
    tpu.wait_indirect_dma semaphore(%arg17 : memref<!tpu.dma_semaphore, #tpu.memory_space<semaphore_mem>>) src(%arg9 : memref<50x128xf32, #tpu.memory_space<vmem>>) dst(%dma_wait3A_92 : memref<10000x128xf32, #tpu.memory_space<vmem_shared>>)
    %dma_wait3A_93 = arith.constant 197 : i32
    %dma_wait3A_94 = arith.constant 0 : i32
    %dma_wait3A_95 = tpu.memref_slice %arg8[%dma_wait3A_93, %dma_wait3A_94] : memref<200x50xi32, #tpu.memory_space<vmem>> -> memref<1x50xi32, #tpu.memory_space<vmem>>
    %dma_wait3A_96 = tpu.memref_squeeze %dma_wait3A_95 : memref<1x50xi32, #tpu.memory_space<vmem>> -> memref<50xi32, #tpu.memory_space<vmem>>
    %dma_wait3A_97 = arith.constant 0 : i32
    %dma_wait3A_98 = arith.constant 0 : i32
    %dma_wait3A_99 = tpu.memref_slice %arg6[%dma_wait3A_97, %dma_wait3A_98] : memref<10000x128xf32, #tpu.memory_space<vmem_shared>> -> memref<10000x128xf32, #tpu.memory_space<vmem_shared>>
    tpu.wait_indirect_dma semaphore(%arg18 : memref<!tpu.dma_semaphore, #tpu.memory_space<semaphore_mem>>) src(%arg10 : memref<50x128xf32, #tpu.memory_space<vmem>>) dst(%dma_wait3A_99 : memref<10000x128xf32, #tpu.memory_space<vmem_shared>>)
    %dma_wait3A_100 = arith.constant 198 : i32
    %dma_wait3A_101 = arith.constant 0 : i32
    %dma_wait3A_102 = tpu.memref_slice %arg8[%dma_wait3A_100, %dma_wait3A_101] : memref<200x50xi32, #tpu.memory_space<vmem>> -> memref<1x50xi32, #tpu.memory_space<vmem>>
    %dma_wait3A_103 = tpu.memref_squeeze %dma_wait3A_102 : memref<1x50xi32, #tpu.memory_space<vmem>> -> memref<50xi32, #tpu.memory_space<vmem>>
    %dma_wait3A_104 = arith.constant 0 : i32
    %dma_wait3A_105 = arith.constant 0 : i32
    %dma_wait3A_106 = tpu.memref_slice %arg6[%dma_wait3A_104, %dma_wait3A_105] : memref<10000x128xf32, #tpu.memory_space<vmem_shared>> -> memref<10000x128xf32, #tpu.memory_space<vmem_shared>>
    tpu.wait_indirect_dma semaphore(%arg19 : memref<!tpu.dma_semaphore, #tpu.memory_space<semaphore_mem>>) src(%arg11 : memref<50x128xf32, #tpu.memory_space<vmem>>) dst(%dma_wait3A_106 : memref<10000x128xf32, #tpu.memory_space<vmem_shared>>)
    %dma_wait3A_107 = arith.constant 199 : i32
    %dma_wait3A_108 = arith.constant 0 : i32
    %dma_wait3A_109 = tpu.memref_slice %arg8[%dma_wait3A_107, %dma_wait3A_108] : memref<200x50xi32, #tpu.memory_space<vmem>> -> memref<1x50xi32, #tpu.memory_space<vmem>>
    %dma_wait3A_110 = tpu.memref_squeeze %dma_wait3A_109 : memref<1x50xi32, #tpu.memory_space<vmem>> -> memref<50xi32, #tpu.memory_space<vmem>>
    %dma_wait3A_111 = arith.constant 0 : i32
    %dma_wait3A_112 = arith.constant 0 : i32
    %dma_wait3A_113 = tpu.memref_slice %arg6[%dma_wait3A_111, %dma_wait3A_112] : memref<10000x128xf32, #tpu.memory_space<vmem_shared>> -> memref<10000x128xf32, #tpu.memory_space<vmem_shared>>
    tpu.wait_indirect_dma semaphore(%arg20 : memref<!tpu.dma_semaphore, #tpu.memory_space<semaphore_mem>>) src(%arg12 : memref<50x128xf32, #tpu.memory_space<vmem>>) dst(%dma_wait3A_113 : memref<10000x128xf32, #tpu.memory_space<vmem_shared>>)
    %barrier3A_114 = arith.constant 0 : index
    tpu.barrier barrier_id(%barrier3A_114)
    %mul3A_115 = arith.constant 624 : i32
    %mul3A_116 = arith.muli %arg1, %mul3A_115 : i32
    %mul3A_117 = arith.constant 10000 : i32
    %mul3A_118 = arith.muli %arg0, %mul3A_117 : i32
    %mul3A_119 = arith.constant 624 : i32
    %mul3A_120 = arith.muli %arg1, %mul3A_119 : i32
    %add3A_121 = arith.addi %mul3A_118, %mul3A_120 : i32
    "tpu.region"() ({
      %run_scoped3A = tpu.sem_alloc : memref<!tpu.dma_semaphore, #tpu.memory_space<semaphore_mem>>
      %dma_start3A_127 = arith.constant 0 : i32
      %dma_start3A_128 = tpu.memref_slice %arg5[%add3A_121, %dma_start3A_127] : memref<20000x128xf32, #tpu.memory_space<hbm>> -> memref<624x128xf32, #tpu.memory_space<hbm>>
      %dma_start3A_129 = arith.constant 0 : i32
      %dma_start3A_130 = tpu.memref_slice %arg6[%mul3A_116, %dma_start3A_129] : memref<10000x128xf32, #tpu.memory_space<vmem_shared>> -> memref<624x128xf32, #tpu.memory_space<vmem_shared>>
      tpu.enqueue_dma source(%dma_start3A_130 : memref<624x128xf32, #tpu.memory_space<vmem_shared>>) target(%dma_start3A_128 : memref<624x128xf32, #tpu.memory_space<hbm>>) target_semaphore(%run_scoped3A : memref<!tpu.dma_semaphore, #tpu.memory_space<semaphore_mem>>)
      %dma_wait3A_131 = arith.constant 0 : i32
      %dma_wait3A_132 = tpu.memref_slice %arg5[%add3A_121, %dma_wait3A_131] : memref<20000x128xf32, #tpu.memory_space<hbm>> -> memref<624x128xf32, #tpu.memory_space<hbm>>
      %dma_wait3A_133 = arith.constant 0 : i32
      %dma_wait3A_134 = tpu.memref_slice %arg6[%mul3A_116, %dma_wait3A_133] : memref<10000x128xf32, #tpu.memory_space<vmem_shared>> -> memref<624x128xf32, #tpu.memory_space<vmem_shared>>
      tpu.wait_dma2 semaphore(%run_scoped3A : memref<!tpu.dma_semaphore, #tpu.memory_space<semaphore_mem>>) src(%dma_wait3A_134 : memref<624x128xf32, #tpu.memory_space<vmem_shared>>) dst(%dma_wait3A_132 : memref<624x128xf32, #tpu.memory_space<hbm>>)
      tpu.yield
    }) : () -> ()
    %eq3A_122 = arith.constant 0 : i32
    %eq3A_123 = arith.cmpi eq, %arg1, %eq3A_122 : i32
    %convert_element_type3A_124 = arith.extui %eq3A_123 : i1 to i32
    %cond3A_125 = arith.constant 0 : i32
    %cond3A_126 = arith.cmpi ne, %convert_element_type3A_124, %cond3A_125 : i32
    scf.if %cond3A_126 {
      %mul3A_127 = arith.constant 10000 : i32
      %mul3A_128 = arith.muli %arg0, %mul3A_127 : i32
      %add3A_129 = arith.constant 9984 : i32
      %add3A_130 = arith.addi %mul3A_128, %add3A_129 : i32
      "tpu.region"() ({
        %run_scoped3A = tpu.sem_alloc : memref<!tpu.dma_semaphore, #tpu.memory_space<semaphore_mem>>
        %dma_start3A_131 = arith.constant 0 : i32
        %dma_start3A_132 = tpu.memref_slice %arg5[%add3A_130, %dma_start3A_131] : memref<20000x128xf32, #tpu.memory_space<hbm>> -> memref<16x128xf32, #tpu.memory_space<hbm>>
        %dma_start3A_133 = arith.constant 9984 : i32
        %dma_start3A_134 = arith.constant 0 : i32
        %dma_start3A_135 = tpu.memref_slice %arg6[%dma_start3A_133, %dma_start3A_134] : memref<10000x128xf32, #tpu.memory_space<vmem_shared>> -> memref<16x128xf32, #tpu.memory_space<vmem_shared>>
        tpu.enqueue_dma source(%dma_start3A_135 : memref<16x128xf32, #tpu.memory_space<vmem_shared>>) target(%dma_start3A_132 : memref<16x128xf32, #tpu.memory_space<hbm>>) target_semaphore(%run_scoped3A : memref<!tpu.dma_semaphore, #tpu.memory_space<semaphore_mem>>)
        %dma_wait3A_136 = arith.constant 0 : i32
        %dma_wait3A_137 = tpu.memref_slice %arg5[%add3A_130, %dma_wait3A_136] : memref<20000x128xf32, #tpu.memory_space<hbm>> -> memref<16x128xf32, #tpu.memory_space<hbm>>
        %dma_wait3A_138 = arith.constant 9984 : i32
        %dma_wait3A_139 = arith.constant 0 : i32
        %dma_wait3A_140 = tpu.memref_slice %arg6[%dma_wait3A_138, %dma_wait3A_139] : memref<10000x128xf32, #tpu.memory_space<vmem_shared>> -> memref<16x128xf32, #tpu.memory_space<vmem_shared>>
        tpu.wait_dma2 semaphore(%run_scoped3A : memref<!tpu.dma_semaphore, #tpu.memory_space<semaphore_mem>>) src(%dma_wait3A_140 : memref<16x128xf32, #tpu.memory_space<vmem_shared>>) dst(%dma_wait3A_137 : memref<16x128xf32, #tpu.memory_space<hbm>>)
        tpu.yield
      }) : () -> ()
    } else {
    }
    return
  }
}

#map = affine_map<(d0, d1) -> (0)>
#map1 = affine_map<(d0, d1) -> (0, 0)>
module attributes {stable_mosaic.version = 14 : i64} {
  func.func @_deg_kernel(%arg0: i32, %arg1: i32, %arg2: memref<160000xi32, #tpu.memory_space<hbm>>, %arg3: memref<624x16xf32, #tpu.memory_space<hbm>>, %arg4: memref<1000x16xf32, #tpu.memory_space<hbm>>, %arg5: memref<20000xf32, #tpu.memory_space<hbm>>, %arg6: memref<10000x16xf32, #tpu.memory_space<vmem_shared>>, %arg7: memref<624x16xf32, #tpu.memory_space<vmem>>, %arg8: memref<1000x16xf32, #tpu.memory_space<vmem>>, %arg9: memref<1000xi32, #tpu.memory_space<vmem>>, %arg10: memref<624xf32, #tpu.memory_space<vmem>>, %arg11: memref<!tpu.dma_semaphore, #tpu.memory_space<semaphore_mem>>) attributes {dimension_semantics = [#tpu.dimension_semantics<core_parallel>, #tpu.dimension_semantics<subcore_parallel>], iteration_bounds = array<i64: 2, 16>, scalar_prefetch = 0 : i64, scratch_operands = 6 : i64, tpu.core_type = #tpu.core_type<sc_vector_subcore>, window_params = [{transform_indices = #map}, {transform_indices = #map1}, {transform_indices = #map1}, {transform_indices = #map}]} {
    "tpu.region"() ({
      %run_scoped3A = tpu.sem_alloc : memref<!tpu.dma_semaphore, #tpu.memory_space<semaphore_mem>>
      %dma_start3A = arith.constant 0 : i32
      %dma_start3A_34 = arith.constant 0 : i32
      %dma_start3A_35 = tpu.memref_slice %arg3[%dma_start3A, %dma_start3A_34] : memref<624x16xf32, #tpu.memory_space<hbm>> -> memref<624x16xf32, #tpu.memory_space<hbm>>
      %dma_start3A_36 = arith.constant 0 : i32
      %dma_start3A_37 = arith.constant 0 : i32
      %dma_start3A_38 = tpu.memref_slice %arg3[%dma_start3A_36, %dma_start3A_37] : memref<624x16xf32, #tpu.memory_space<hbm>> -> memref<624x16xf32, #tpu.memory_space<hbm>>
      tpu.enqueue_dma source(%dma_start3A_38 : memref<624x16xf32, #tpu.memory_space<hbm>>) target(%arg7 : memref<624x16xf32, #tpu.memory_space<vmem>>) target_semaphore(%run_scoped3A : memref<!tpu.dma_semaphore, #tpu.memory_space<semaphore_mem>>)
      %dma_wait3A = arith.constant 0 : i32
      %dma_wait3A_39 = arith.constant 0 : i32
      %dma_wait3A_40 = tpu.memref_slice %arg3[%dma_wait3A, %dma_wait3A_39] : memref<624x16xf32, #tpu.memory_space<hbm>> -> memref<624x16xf32, #tpu.memory_space<hbm>>
      %dma_wait3A_41 = arith.constant 0 : i32
      %dma_wait3A_42 = arith.constant 0 : i32
      %dma_wait3A_43 = tpu.memref_slice %arg3[%dma_wait3A_41, %dma_wait3A_42] : memref<624x16xf32, #tpu.memory_space<hbm>> -> memref<624x16xf32, #tpu.memory_space<hbm>>
      tpu.wait_dma2 semaphore(%run_scoped3A : memref<!tpu.dma_semaphore, #tpu.memory_space<semaphore_mem>>) src(%dma_wait3A_43 : memref<624x16xf32, #tpu.memory_space<hbm>>) dst(%arg7 : memref<624x16xf32, #tpu.memory_space<vmem>>)
      tpu.yield
    }) : () -> ()
    "tpu.region"() ({
      %run_scoped3A = tpu.sem_alloc : memref<!tpu.dma_semaphore, #tpu.memory_space<semaphore_mem>>
      %dma_start3A = arith.constant 0 : i32
      %dma_start3A_34 = arith.constant 0 : i32
      %dma_start3A_35 = tpu.memref_slice %arg4[%dma_start3A, %dma_start3A_34] : memref<1000x16xf32, #tpu.memory_space<hbm>> -> memref<1000x16xf32, #tpu.memory_space<hbm>>
      %dma_start3A_36 = arith.constant 0 : i32
      %dma_start3A_37 = arith.constant 0 : i32
      %dma_start3A_38 = tpu.memref_slice %arg4[%dma_start3A_36, %dma_start3A_37] : memref<1000x16xf32, #tpu.memory_space<hbm>> -> memref<1000x16xf32, #tpu.memory_space<hbm>>
      tpu.enqueue_dma source(%dma_start3A_38 : memref<1000x16xf32, #tpu.memory_space<hbm>>) target(%arg8 : memref<1000x16xf32, #tpu.memory_space<vmem>>) target_semaphore(%run_scoped3A : memref<!tpu.dma_semaphore, #tpu.memory_space<semaphore_mem>>)
      %dma_wait3A = arith.constant 0 : i32
      %dma_wait3A_39 = arith.constant 0 : i32
      %dma_wait3A_40 = tpu.memref_slice %arg4[%dma_wait3A, %dma_wait3A_39] : memref<1000x16xf32, #tpu.memory_space<hbm>> -> memref<1000x16xf32, #tpu.memory_space<hbm>>
      %dma_wait3A_41 = arith.constant 0 : i32
      %dma_wait3A_42 = arith.constant 0 : i32
      %dma_wait3A_43 = tpu.memref_slice %arg4[%dma_wait3A_41, %dma_wait3A_42] : memref<1000x16xf32, #tpu.memory_space<hbm>> -> memref<1000x16xf32, #tpu.memory_space<hbm>>
      tpu.wait_dma2 semaphore(%run_scoped3A : memref<!tpu.dma_semaphore, #tpu.memory_space<semaphore_mem>>) src(%dma_wait3A_43 : memref<1000x16xf32, #tpu.memory_space<hbm>>) dst(%arg8 : memref<1000x16xf32, #tpu.memory_space<vmem>>)
      tpu.yield
    }) : () -> ()
    %mul3A = arith.constant 624 : i32
    %mul3A_0 = arith.muli %arg1, %mul3A : i32
    "tpu.region"() ({
      %run_scoped3A = tpu.sem_alloc : memref<!tpu.dma_semaphore, #tpu.memory_space<semaphore_mem>>
      %dma_start3A = arith.constant 0 : i32
      %dma_start3A_34 = tpu.memref_slice %arg6[%mul3A_0, %dma_start3A] : memref<10000x16xf32, #tpu.memory_space<vmem_shared>> -> memref<624x16xf32, #tpu.memory_space<vmem_shared>>
      %dma_start3A_35 = arith.constant 0 : i32
      %dma_start3A_36 = tpu.memref_slice %arg6[%mul3A_0, %dma_start3A_35] : memref<10000x16xf32, #tpu.memory_space<vmem_shared>> -> memref<624x16xf32, #tpu.memory_space<vmem_shared>>
      tpu.enqueue_dma source(%arg7 : memref<624x16xf32, #tpu.memory_space<vmem>>) target(%dma_start3A_36 : memref<624x16xf32, #tpu.memory_space<vmem_shared>>) target_semaphore(%run_scoped3A : memref<!tpu.dma_semaphore, #tpu.memory_space<semaphore_mem>>)
      %dma_wait3A = arith.constant 0 : i32
      %dma_wait3A_37 = tpu.memref_slice %arg6[%mul3A_0, %dma_wait3A] : memref<10000x16xf32, #tpu.memory_space<vmem_shared>> -> memref<624x16xf32, #tpu.memory_space<vmem_shared>>
      %dma_wait3A_38 = arith.constant 0 : i32
      %dma_wait3A_39 = tpu.memref_slice %arg6[%mul3A_0, %dma_wait3A_38] : memref<10000x16xf32, #tpu.memory_space<vmem_shared>> -> memref<624x16xf32, #tpu.memory_space<vmem_shared>>
      tpu.wait_dma2 semaphore(%run_scoped3A : memref<!tpu.dma_semaphore, #tpu.memory_space<semaphore_mem>>) src(%arg7 : memref<624x16xf32, #tpu.memory_space<vmem>>) dst(%dma_wait3A_39 : memref<624x16xf32, #tpu.memory_space<vmem_shared>>)
      tpu.yield
    }) : () -> ()
    %eq3A = arith.constant 0 : i32
    %eq3A_1 = arith.cmpi eq, %arg1, %eq3A : i32
    %convert_element_type3A = arith.extui %eq3A_1 : i1 to i32
    %cond3A = arith.constant 0 : i32
    %cond3A_2 = arith.cmpi ne, %convert_element_type3A, %cond3A : i32
    scf.if %cond3A_2 {
      "tpu.region"() ({
        %run_scoped3A = tpu.sem_alloc : memref<!tpu.dma_semaphore, #tpu.memory_space<semaphore_mem>>
        %dma_start3A = arith.constant 0 : i32
        %dma_start3A_34 = arith.constant 0 : i32
        %dma_start3A_35 = tpu.memref_slice %arg7[%dma_start3A, %dma_start3A_34] : memref<624x16xf32, #tpu.memory_space<vmem>> -> memref<16x16xf32, #tpu.memory_space<vmem>>
        %dma_start3A_36 = arith.constant 9984 : i32
        %dma_start3A_37 = arith.constant 0 : i32
        %dma_start3A_38 = tpu.memref_slice %arg6[%dma_start3A_36, %dma_start3A_37] : memref<10000x16xf32, #tpu.memory_space<vmem_shared>> -> memref<16x16xf32, #tpu.memory_space<vmem_shared>>
        %dma_start3A_39 = arith.constant 9984 : i32
        %dma_start3A_40 = arith.constant 0 : i32
        %dma_start3A_41 = tpu.memref_slice %arg6[%dma_start3A_39, %dma_start3A_40] : memref<10000x16xf32, #tpu.memory_space<vmem_shared>> -> memref<16x16xf32, #tpu.memory_space<vmem_shared>>
        %dma_start3A_42 = arith.constant 0 : i32
        %dma_start3A_43 = arith.constant 0 : i32
        %dma_start3A_44 = tpu.memref_slice %arg7[%dma_start3A_42, %dma_start3A_43] : memref<624x16xf32, #tpu.memory_space<vmem>> -> memref<16x16xf32, #tpu.memory_space<vmem>>
        tpu.enqueue_dma source(%dma_start3A_44 : memref<16x16xf32, #tpu.memory_space<vmem>>) target(%dma_start3A_41 : memref<16x16xf32, #tpu.memory_space<vmem_shared>>) target_semaphore(%run_scoped3A : memref<!tpu.dma_semaphore, #tpu.memory_space<semaphore_mem>>)
        %dma_wait3A = arith.constant 0 : i32
        %dma_wait3A_45 = arith.constant 0 : i32
        %dma_wait3A_46 = tpu.memref_slice %arg7[%dma_wait3A, %dma_wait3A_45] : memref<624x16xf32, #tpu.memory_space<vmem>> -> memref<16x16xf32, #tpu.memory_space<vmem>>
        %dma_wait3A_47 = arith.constant 9984 : i32
        %dma_wait3A_48 = arith.constant 0 : i32
        %dma_wait3A_49 = tpu.memref_slice %arg6[%dma_wait3A_47, %dma_wait3A_48] : memref<10000x16xf32, #tpu.memory_space<vmem_shared>> -> memref<16x16xf32, #tpu.memory_space<vmem_shared>>
        %dma_wait3A_50 = arith.constant 9984 : i32
        %dma_wait3A_51 = arith.constant 0 : i32
        %dma_wait3A_52 = tpu.memref_slice %arg6[%dma_wait3A_50, %dma_wait3A_51] : memref<10000x16xf32, #tpu.memory_space<vmem_shared>> -> memref<16x16xf32, #tpu.memory_space<vmem_shared>>
        %dma_wait3A_53 = arith.constant 0 : i32
        %dma_wait3A_54 = arith.constant 0 : i32
        %dma_wait3A_55 = tpu.memref_slice %arg7[%dma_wait3A_53, %dma_wait3A_54] : memref<624x16xf32, #tpu.memory_space<vmem>> -> memref<16x16xf32, #tpu.memory_space<vmem>>
        tpu.wait_dma2 semaphore(%run_scoped3A : memref<!tpu.dma_semaphore, #tpu.memory_space<semaphore_mem>>) src(%dma_wait3A_55 : memref<16x16xf32, #tpu.memory_space<vmem>>) dst(%dma_wait3A_52 : memref<16x16xf32, #tpu.memory_space<vmem_shared>>)
        tpu.yield
      }) : () -> ()
    } else {
    }
    %barrier3A = arith.constant 0 : index
    tpu.barrier barrier_id(%barrier3A)
    %mul3A_3 = arith.constant 2 : i32
    %mul3A_4 = arith.muli %arg1, %mul3A_3 : i32
    %add3A = arith.addi %mul3A_4, %arg0 : i32
    %mul3A_5 = arith.constant 5000 : i32
    %mul3A_6 = arith.muli %add3A, %mul3A_5 : i32
    %scan3A = arith.constant 0 : i32
    %scan3A_7 = arith.constant 0 : i32
    %scan3A_8 = arith.constant 5 : i32
    %scan3A_9 = arith.addi %scan3A_7, %scan3A_8 : i32
    %scan3A_10 = arith.constant 1 : i32
    %scan3A_11 = scf.for %scan3A_34 = %scan3A_7 to %scan3A_9 step %scan3A_10 iter_args(%scan3A_35 = %scan3A) -> (i32)  : i32 {
      %mul3A_36 = arith.constant 1000 : i32
      %mul3A_37 = arith.muli %scan3A_34, %mul3A_36 : i32
      %add3A_38 = arith.addi %mul3A_6, %mul3A_37 : i32
      "tpu.region"() ({
        %run_scoped3A = tpu.sem_alloc : memref<!tpu.dma_semaphore, #tpu.memory_space<semaphore_mem>>
        %dma_start3A = tpu.memref_slice %arg2[%add3A_38] : memref<160000xi32, #tpu.memory_space<hbm>> -> memref<1000xi32, #tpu.memory_space<hbm>>
        %dma_start3A_40 = tpu.memref_slice %arg2[%add3A_38] : memref<160000xi32, #tpu.memory_space<hbm>> -> memref<1000xi32, #tpu.memory_space<hbm>>
        tpu.enqueue_dma source(%dma_start3A_40 : memref<1000xi32, #tpu.memory_space<hbm>>) target(%arg9 : memref<1000xi32, #tpu.memory_space<vmem>>) target_semaphore(%run_scoped3A : memref<!tpu.dma_semaphore, #tpu.memory_space<semaphore_mem>>)
        %dma_wait3A = tpu.memref_slice %arg2[%add3A_38] : memref<160000xi32, #tpu.memory_space<hbm>> -> memref<1000xi32, #tpu.memory_space<hbm>>
        %dma_wait3A_41 = tpu.memref_slice %arg2[%add3A_38] : memref<160000xi32, #tpu.memory_space<hbm>> -> memref<1000xi32, #tpu.memory_space<hbm>>
        tpu.wait_dma2 semaphore(%run_scoped3A : memref<!tpu.dma_semaphore, #tpu.memory_space<semaphore_mem>>) src(%dma_wait3A_41 : memref<1000xi32, #tpu.memory_space<hbm>>) dst(%arg9 : memref<1000xi32, #tpu.memory_space<vmem>>)
        tpu.yield
      }) : () -> ()
      "tpu.region"() ({
        %run_scoped3A = tpu.sem_alloc : memref<!tpu.dma_semaphore, #tpu.memory_space<semaphore_mem>>
        %dma_start3A = arith.constant 0 : i32
        %dma_start3A_40 = arith.constant 0 : i32
        %dma_start3A_41 = tpu.memref_slice %arg6[%dma_start3A, %dma_start3A_40] : memref<10000x16xf32, #tpu.memory_space<vmem_shared>> -> memref<10000x16xf32, #tpu.memory_space<vmem_shared>>
        tpu.enqueue_indirect_dma source(%arg8 : memref<1000x16xf32, #tpu.memory_space<vmem>>) target(%dma_start3A_41 : memref<10000x16xf32, #tpu.memory_space<vmem_shared>>) offsets(%arg9 : memref<1000xi32, #tpu.memory_space<vmem>>) semaphore(%run_scoped3A : memref<!tpu.dma_semaphore, #tpu.memory_space<semaphore_mem>>) {add = true}
        %dma_wait3A = arith.constant 0 : i32
        %dma_wait3A_42 = arith.constant 0 : i32
        %dma_wait3A_43 = tpu.memref_slice %arg6[%dma_wait3A, %dma_wait3A_42] : memref<10000x16xf32, #tpu.memory_space<vmem_shared>> -> memref<10000x16xf32, #tpu.memory_space<vmem_shared>>
        tpu.wait_indirect_dma semaphore(%run_scoped3A : memref<!tpu.dma_semaphore, #tpu.memory_space<semaphore_mem>>) src(%arg8 : memref<1000x16xf32, #tpu.memory_space<vmem>>) dst(%dma_wait3A_43 : memref<10000x16xf32, #tpu.memory_space<vmem_shared>>)
        tpu.yield
      }) : () -> ()
      %scan3A_39 = arith.constant 0 : i32
      scf.yield %scan3A_39 : i32
    }
    %scan3A_12 = arith.constant 5 : i32
    %barrier3A_13 = arith.constant 0 : index
    tpu.barrier barrier_id(%barrier3A_13)
    %mul3A_14 = arith.constant 624 : i32
    %mul3A_15 = arith.muli %arg1, %mul3A_14 : i32
    "tpu.region"() ({
      %run_scoped3A = tpu.sem_alloc : memref<!tpu.dma_semaphore, #tpu.memory_space<semaphore_mem>>
      %dma_start3A = arith.constant 0 : i32
      %dma_start3A_34 = tpu.memref_slice %arg6[%mul3A_15, %dma_start3A] : memref<10000x16xf32, #tpu.memory_space<vmem_shared>> -> memref<624x16xf32, #tpu.memory_space<vmem_shared>>
      %dma_start3A_35 = arith.constant 0 : i32
      %dma_start3A_36 = tpu.memref_slice %arg6[%mul3A_15, %dma_start3A_35] : memref<10000x16xf32, #tpu.memory_space<vmem_shared>> -> memref<624x16xf32, #tpu.memory_space<vmem_shared>>
      tpu.enqueue_dma source(%dma_start3A_36 : memref<624x16xf32, #tpu.memory_space<vmem_shared>>) target(%arg7 : memref<624x16xf32, #tpu.memory_space<vmem>>) target_semaphore(%run_scoped3A : memref<!tpu.dma_semaphore, #tpu.memory_space<semaphore_mem>>)
      %dma_wait3A = arith.constant 0 : i32
      %dma_wait3A_37 = tpu.memref_slice %arg6[%mul3A_15, %dma_wait3A] : memref<10000x16xf32, #tpu.memory_space<vmem_shared>> -> memref<624x16xf32, #tpu.memory_space<vmem_shared>>
      %dma_wait3A_38 = arith.constant 0 : i32
      %dma_wait3A_39 = tpu.memref_slice %arg6[%mul3A_15, %dma_wait3A_38] : memref<10000x16xf32, #tpu.memory_space<vmem_shared>> -> memref<624x16xf32, #tpu.memory_space<vmem_shared>>
      tpu.wait_dma2 semaphore(%run_scoped3A : memref<!tpu.dma_semaphore, #tpu.memory_space<semaphore_mem>>) src(%dma_wait3A_39 : memref<624x16xf32, #tpu.memory_space<vmem_shared>>) dst(%arg7 : memref<624x16xf32, #tpu.memory_space<vmem>>)
      tpu.yield
    }) : () -> ()
    %iota3A = tpu.iota {dimensions = array<i32: 0>} : vector<16xi32>
    %broadcast_in_dim3A = arith.constant 0 : i32
    %broadcast_in_dim3A_16 = vector.broadcast %broadcast_in_dim3A : i32 to vector<16xi32>
    %scan3A_17 = arith.constant 0 : i32
    %scan3A_18 = arith.constant 0 : i32
    %scan3A_19 = arith.constant 39 : i32
    %scan3A_20 = arith.addi %scan3A_18, %scan3A_19 : i32
    %scan3A_21 = arith.constant 1 : i32
    %scan3A_22 = scf.for %scan3A_34 = %scan3A_18 to %scan3A_20 step %scan3A_21 iter_args(%scan3A_35 = %scan3A_17) -> (i32)  : i32 {
      %mul3A_36 = arith.constant 16 : i32
      %mul3A_37 = arith.muli %scan3A_34, %mul3A_36 : i32
      %add3A_38 = vector.broadcast %mul3A_37 : i32 to vector<16xi32>
      %add3A_39 = arith.addi %iota3A, %add3A_38 : vector<16xi32>
      %gather3A = tpu.vector_load_idx %arg7[%add3A_39, %broadcast_in_dim3A_16] : memref<624x16xf32, #tpu.memory_space<vmem>>[vector<16xi32>, vector<16xi32>], vector<16xf32>,
      %mul3A_40 = arith.constant 16 : i32
      %mul3A_41 = arith.muli %scan3A_34, %mul3A_40 : i32
      %swap3A = arith.index_cast %mul3A_41 : i32 to index
      %swap3A_42 = tpu.vector_load %arg10[%swap3A] {strides = array<i32>} : memref<624xf32, #tpu.memory_space<vmem>>, vector<16xf32>,
      tpu.vector_store %arg10[%swap3A], %gather3A {strides = array<i32>} : memref<624xf32, #tpu.memory_space<vmem>>, vector<16xf32>,
      %scan3A_43 = arith.constant 0 : i32
      scf.yield %scan3A_43 : i32
    }
    %scan3A_23 = arith.constant 39 : i32
    %mul3A_24 = arith.constant 10000 : i32
    %mul3A_25 = arith.muli %arg0, %mul3A_24 : i32
    %mul3A_26 = arith.constant 624 : i32
    %mul3A_27 = arith.muli %arg1, %mul3A_26 : i32
    %add3A_28 = arith.addi %mul3A_25, %mul3A_27 : i32
    "tpu.region"() ({
      %run_scoped3A = tpu.sem_alloc : memref<!tpu.dma_semaphore, #tpu.memory_space<semaphore_mem>>
      %dma_start3A = tpu.memref_slice %arg5[%add3A_28] : memref<20000xf32, #tpu.memory_space<hbm>> -> memref<624xf32, #tpu.memory_space<hbm>>
      %dma_start3A_34 = tpu.memref_slice %arg5[%add3A_28] : memref<20000xf32, #tpu.memory_space<hbm>> -> memref<624xf32, #tpu.memory_space<hbm>>
      tpu.enqueue_dma source(%arg10 : memref<624xf32, #tpu.memory_space<vmem>>) target(%dma_start3A_34 : memref<624xf32, #tpu.memory_space<hbm>>) target_semaphore(%run_scoped3A : memref<!tpu.dma_semaphore, #tpu.memory_space<semaphore_mem>>)
      %dma_wait3A = tpu.memref_slice %arg5[%add3A_28] : memref<20000xf32, #tpu.memory_space<hbm>> -> memref<624xf32, #tpu.memory_space<hbm>>
      %dma_wait3A_35 = tpu.memref_slice %arg5[%add3A_28] : memref<20000xf32, #tpu.memory_space<hbm>> -> memref<624xf32, #tpu.memory_space<hbm>>
      tpu.wait_dma2 semaphore(%run_scoped3A : memref<!tpu.dma_semaphore, #tpu.memory_space<semaphore_mem>>) src(%arg10 : memref<624xf32, #tpu.memory_space<vmem>>) dst(%dma_wait3A_35 : memref<624xf32, #tpu.memory_space<hbm>>)
      tpu.yield
    }) : () -> ()
    %eq3A_29 = arith.constant 0 : i32
    %eq3A_30 = arith.cmpi eq, %arg1, %eq3A_29 : i32
    %convert_element_type3A_31 = arith.extui %eq3A_30 : i1 to i32
    %cond3A_32 = arith.constant 0 : i32
    %cond3A_33 = arith.cmpi ne, %convert_element_type3A_31, %cond3A_32 : i32
    scf.if %cond3A_33 {
      "tpu.region"() ({
        %run_scoped3A = tpu.sem_alloc : memref<!tpu.dma_semaphore, #tpu.memory_space<semaphore_mem>>
        %dma_start3A = arith.constant 0 : i32
        %dma_start3A_39 = arith.constant 0 : i32
        %dma_start3A_40 = tpu.memref_slice %arg7[%dma_start3A, %dma_start3A_39] : memref<624x16xf32, #tpu.memory_space<vmem>> -> memref<16x16xf32, #tpu.memory_space<vmem>>
        %dma_start3A_41 = arith.constant 9984 : i32
        %dma_start3A_42 = arith.constant 0 : i32
        %dma_start3A_43 = tpu.memref_slice %arg6[%dma_start3A_41, %dma_start3A_42] : memref<10000x16xf32, #tpu.memory_space<vmem_shared>> -> memref<16x16xf32, #tpu.memory_space<vmem_shared>>
        %dma_start3A_44 = arith.constant 0 : i32
        %dma_start3A_45 = arith.constant 0 : i32
        %dma_start3A_46 = tpu.memref_slice %arg7[%dma_start3A_44, %dma_start3A_45] : memref<624x16xf32, #tpu.memory_space<vmem>> -> memref<16x16xf32, #tpu.memory_space<vmem>>
        %dma_start3A_47 = arith.constant 9984 : i32
        %dma_start3A_48 = arith.constant 0 : i32
        %dma_start3A_49 = tpu.memref_slice %arg6[%dma_start3A_47, %dma_start3A_48] : memref<10000x16xf32, #tpu.memory_space<vmem_shared>> -> memref<16x16xf32, #tpu.memory_space<vmem_shared>>
        tpu.enqueue_dma source(%dma_start3A_49 : memref<16x16xf32, #tpu.memory_space<vmem_shared>>) target(%dma_start3A_46 : memref<16x16xf32, #tpu.memory_space<vmem>>) target_semaphore(%run_scoped3A : memref<!tpu.dma_semaphore, #tpu.memory_space<semaphore_mem>>)
        %dma_wait3A = arith.constant 0 : i32
        %dma_wait3A_50 = arith.constant 0 : i32
        %dma_wait3A_51 = tpu.memref_slice %arg7[%dma_wait3A, %dma_wait3A_50] : memref<624x16xf32, #tpu.memory_space<vmem>> -> memref<16x16xf32, #tpu.memory_space<vmem>>
        %dma_wait3A_52 = arith.constant 9984 : i32
        %dma_wait3A_53 = arith.constant 0 : i32
        %dma_wait3A_54 = tpu.memref_slice %arg6[%dma_wait3A_52, %dma_wait3A_53] : memref<10000x16xf32, #tpu.memory_space<vmem_shared>> -> memref<16x16xf32, #tpu.memory_space<vmem_shared>>
        %dma_wait3A_55 = arith.constant 0 : i32
        %dma_wait3A_56 = arith.constant 0 : i32
        %dma_wait3A_57 = tpu.memref_slice %arg7[%dma_wait3A_55, %dma_wait3A_56] : memref<624x16xf32, #tpu.memory_space<vmem>> -> memref<16x16xf32, #tpu.memory_space<vmem>>
        %dma_wait3A_58 = arith.constant 9984 : i32
        %dma_wait3A_59 = arith.constant 0 : i32
        %dma_wait3A_60 = tpu.memref_slice %arg6[%dma_wait3A_58, %dma_wait3A_59] : memref<10000x16xf32, #tpu.memory_space<vmem_shared>> -> memref<16x16xf32, #tpu.memory_space<vmem_shared>>
        tpu.wait_dma2 semaphore(%run_scoped3A : memref<!tpu.dma_semaphore, #tpu.memory_space<semaphore_mem>>) src(%dma_wait3A_60 : memref<16x16xf32, #tpu.memory_space<vmem_shared>>) dst(%dma_wait3A_57 : memref<16x16xf32, #tpu.memory_space<vmem>>)
        tpu.yield
      }) : () -> ()
      %gather3A = tpu.vector_load_idx %arg7[%iota3A, %broadcast_in_dim3A_16] : memref<624x16xf32, #tpu.memory_space<vmem>>[vector<16xi32>, vector<16xi32>], vector<16xf32>,
      %swap3A = arith.constant 0 : index
      %swap3A_34 = tpu.vector_load %arg10[%swap3A] {strides = array<i32>} : memref<624xf32, #tpu.memory_space<vmem>>, vector<16xf32>,
      tpu.vector_store %arg10[%swap3A], %gather3A {strides = array<i32>} : memref<624xf32, #tpu.memory_space<vmem>>, vector<16xf32>,
      %mul3A_35 = arith.constant 10000 : i32
      %mul3A_36 = arith.muli %arg0, %mul3A_35 : i32
      %add3A_37 = arith.constant 9984 : i32
      %add3A_38 = arith.addi %mul3A_36, %add3A_37 : i32
      "tpu.region"() ({
        %run_scoped3A = tpu.sem_alloc : memref<!tpu.dma_semaphore, #tpu.memory_space<semaphore_mem>>
        %dma_start3A = arith.constant 0 : i32
        %dma_start3A_39 = tpu.memref_slice %arg10[%dma_start3A] : memref<624xf32, #tpu.memory_space<vmem>> -> memref<16xf32, #tpu.memory_space<vmem>>
        %dma_start3A_40 = tpu.memref_slice %arg5[%add3A_38] : memref<20000xf32, #tpu.memory_space<hbm>> -> memref<16xf32, #tpu.memory_space<hbm>>
        %dma_start3A_41 = tpu.memref_slice %arg5[%add3A_38] : memref<20000xf32, #tpu.memory_space<hbm>> -> memref<16xf32, #tpu.memory_space<hbm>>
        %dma_start3A_42 = arith.constant 0 : i32
        %dma_start3A_43 = tpu.memref_slice %arg10[%dma_start3A_42] : memref<624xf32, #tpu.memory_space<vmem>> -> memref<16xf32, #tpu.memory_space<vmem>>
        tpu.enqueue_dma source(%dma_start3A_43 : memref<16xf32, #tpu.memory_space<vmem>>) target(%dma_start3A_41 : memref<16xf32, #tpu.memory_space<hbm>>) target_semaphore(%run_scoped3A : memref<!tpu.dma_semaphore, #tpu.memory_space<semaphore_mem>>)
        %dma_wait3A = arith.constant 0 : i32
        %dma_wait3A_44 = tpu.memref_slice %arg10[%dma_wait3A] : memref<624xf32, #tpu.memory_space<vmem>> -> memref<16xf32, #tpu.memory_space<vmem>>
        %dma_wait3A_45 = tpu.memref_slice %arg5[%add3A_38] : memref<20000xf32, #tpu.memory_space<hbm>> -> memref<16xf32, #tpu.memory_space<hbm>>
        %dma_wait3A_46 = tpu.memref_slice %arg5[%add3A_38] : memref<20000xf32, #tpu.memory_space<hbm>> -> memref<16xf32, #tpu.memory_space<hbm>>
        %dma_wait3A_47 = arith.constant 0 : i32
        %dma_wait3A_48 = tpu.memref_slice %arg10[%dma_wait3A_47] : memref<624xf32, #tpu.memory_space<vmem>> -> memref<16xf32, #tpu.memory_space<vmem>>
        tpu.wait_dma2 semaphore(%run_scoped3A : memref<!tpu.dma_semaphore, #tpu.memory_space<semaphore_mem>>) src(%dma_wait3A_48 : memref<16xf32, #tpu.memory_space<vmem>>) dst(%dma_wait3A_46 : memref<16xf32, #tpu.memory_space<hbm>>)
        tpu.yield
      }) : () -> ()
    } else {
    }
    return
  }
}

#map = affine_map<(d0, d1) -> (0, 0)>
module attributes {stable_mosaic.version = 14 : i64} {
  func.func @agg(%arg0: i32, %arg1: i32, %arg2: memref<10000x128xf32, #tpu.memory_space<hbm>>, %arg3: memref<3200x50xi32, #tpu.memory_space<hbm>>, %arg4: memref<3200x50xi32, #tpu.memory_space<hbm>>, %arg5: memref<20000x128xf32, #tpu.memory_space<hbm>>, %arg6: memref<10000x128xf32, #tpu.memory_space<vmem_shared>>, %arg7: memref<100x50xi32, #tpu.memory_space<vmem>>, %arg8: memref<100x50xi32, #tpu.memory_space<vmem>>, %arg9: memref<50x128xf32, #tpu.memory_space<vmem>>, %arg10: memref<50x128xf32, #tpu.memory_space<vmem>>, %arg11: memref<50x128xf32, #tpu.memory_space<vmem>>, %arg12: memref<50x128xf32, #tpu.memory_space<vmem>>, %arg13: memref<!tpu.dma_semaphore, #tpu.memory_space<semaphore_mem>>, %arg14: memref<!tpu.dma_semaphore, #tpu.memory_space<semaphore_mem>>, %arg15: memref<!tpu.dma_semaphore, #tpu.memory_space<semaphore_mem>>, %arg16: memref<!tpu.dma_semaphore, #tpu.memory_space<semaphore_mem>>, %arg17: memref<!tpu.dma_semaphore, #tpu.memory_space<semaphore_mem>>, %arg18: memref<!tpu.dma_semaphore, #tpu.memory_space<semaphore_mem>>, %arg19: memref<!tpu.dma_semaphore, #tpu.memory_space<semaphore_mem>>, %arg20: memref<!tpu.dma_semaphore, #tpu.memory_space<semaphore_mem>>) attributes {dimension_semantics = [#tpu.dimension_semantics<core_parallel>, #tpu.dimension_semantics<subcore_parallel>], iteration_bounds = array<i64: 2, 16>, scalar_prefetch = 0 : i64, scratch_operands = 15 : i64, tpu.core_type = #tpu.core_type<sc_vector_subcore>, window_params = [{transform_indices = #map}, {transform_indices = #map}, {transform_indices = #map}, {transform_indices = #map}]} {
    %mul3A = arith.constant 624 : i32
    %mul3A_0 = arith.muli %arg1, %mul3A : i32
    %add3A = arith.constant 0 : i32
    %add3A_1 = arith.addi %add3A, %mul3A_0 : i32
    %mul3A_2 = arith.constant 624 : i32
    %mul3A_3 = arith.muli %arg1, %mul3A_2 : i32
    "tpu.region"() ({
      %run_scoped3A = tpu.sem_alloc : memref<!tpu.dma_semaphore, #tpu.memory_space<semaphore_mem>>
      %dma_start3A_100 = arith.constant 0 : i32
      %dma_start3A_101 = tpu.memref_slice %arg6[%mul3A_3, %dma_start3A_100] : memref<10000x128xf32, #tpu.memory_space<vmem_shared>> -> memref<624x128xf32, #tpu.memory_space<vmem_shared>>
      %dma_start3A_102 = arith.constant 0 : i32
      %dma_start3A_103 = tpu.memref_slice %arg2[%add3A_1, %dma_start3A_102] : memref<10000x128xf32, #tpu.memory_space<hbm>> -> memref<624x128xf32, #tpu.memory_space<hbm>>
      tpu.enqueue_dma source(%dma_start3A_103 : memref<624x128xf32, #tpu.memory_space<hbm>>) target(%dma_start3A_101 : memref<624x128xf32, #tpu.memory_space<vmem_shared>>) target_semaphore(%run_scoped3A : memref<!tpu.dma_semaphore, #tpu.memory_space<semaphore_mem>>)
      %dma_wait3A_104 = arith.constant 0 : i32
      %dma_wait3A_105 = tpu.memref_slice %arg6[%mul3A_3, %dma_wait3A_104] : memref<10000x128xf32, #tpu.memory_space<vmem_shared>> -> memref<624x128xf32, #tpu.memory_space<vmem_shared>>
      %dma_wait3A_106 = arith.constant 0 : i32
      %dma_wait3A_107 = tpu.memref_slice %arg2[%add3A_1, %dma_wait3A_106] : memref<10000x128xf32, #tpu.memory_space<hbm>> -> memref<624x128xf32, #tpu.memory_space<hbm>>
      tpu.wait_dma2 semaphore(%run_scoped3A : memref<!tpu.dma_semaphore, #tpu.memory_space<semaphore_mem>>) src(%dma_wait3A_107 : memref<624x128xf32, #tpu.memory_space<hbm>>) dst(%dma_wait3A_105 : memref<624x128xf32, #tpu.memory_space<vmem_shared>>)
      tpu.yield
    }) : () -> ()
    %eq3A = arith.constant 0 : i32
    %eq3A_4 = arith.cmpi eq, %arg1, %eq3A : i32
    %convert_element_type3A = arith.extui %eq3A_4 : i1 to i32
    %cond3A = arith.constant 0 : i32
    %cond3A_5 = arith.cmpi ne, %convert_element_type3A, %cond3A : i32
    scf.if %cond3A_5 {
      "tpu.region"() ({
        %run_scoped3A = tpu.sem_alloc : memref<!tpu.dma_semaphore, #tpu.memory_space<semaphore_mem>>
        %dma_start3A_100 = arith.constant 9984 : i32
        %dma_start3A_101 = arith.constant 0 : i32
        %dma_start3A_102 = tpu.memref_slice %arg6[%dma_start3A_100, %dma_start3A_101] : memref<10000x128xf32, #tpu.memory_space<vmem_shared>> -> memref<16x128xf32, #tpu.memory_space<vmem_shared>>
        %dma_start3A_103 = arith.constant 9984 : i32
        %dma_start3A_104 = arith.constant 0 : i32
        %dma_start3A_105 = tpu.memref_slice %arg2[%dma_start3A_103, %dma_start3A_104] : memref<10000x128xf32, #tpu.memory_space<hbm>> -> memref<16x128xf32, #tpu.memory_space<hbm>>
        tpu.enqueue_dma source(%dma_start3A_105 : memref<16x128xf32, #tpu.memory_space<hbm>>) target(%dma_start3A_102 : memref<16x128xf32, #tpu.memory_space<vmem_shared>>) target_semaphore(%run_scoped3A : memref<!tpu.dma_semaphore, #tpu.memory_space<semaphore_mem>>)
        %dma_wait3A_106 = arith.constant 9984 : i32
        %dma_wait3A_107 = arith.constant 0 : i32
        %dma_wait3A_108 = tpu.memref_slice %arg6[%dma_wait3A_106, %dma_wait3A_107] : memref<10000x128xf32, #tpu.memory_space<vmem_shared>> -> memref<16x128xf32, #tpu.memory_space<vmem_shared>>
        %dma_wait3A_109 = arith.constant 9984 : i32
        %dma_wait3A_110 = arith.constant 0 : i32
        %dma_wait3A_111 = tpu.memref_slice %arg2[%dma_wait3A_109, %dma_wait3A_110] : memref<10000x128xf32, #tpu.memory_space<hbm>> -> memref<16x128xf32, #tpu.memory_space<hbm>>
        tpu.wait_dma2 semaphore(%run_scoped3A : memref<!tpu.dma_semaphore, #tpu.memory_space<semaphore_mem>>) src(%dma_wait3A_111 : memref<16x128xf32, #tpu.memory_space<hbm>>) dst(%dma_wait3A_108 : memref<16x128xf32, #tpu.memory_space<vmem_shared>>)
        tpu.yield
      }) : () -> ()
    } else {
    }
    %mul3A_6 = arith.constant 80000 : i32
    %mul3A_7 = arith.muli %arg0, %mul3A_6 : i32
    %mul3A_8 = arith.constant 5000 : i32
    %mul3A_9 = arith.muli %arg1, %mul3A_8 : i32
    %add3A_10 = arith.addi %mul3A_7, %mul3A_9 : i32
    %jit3A = arith.constant 50 : i32
    %div3A = arith.divsi %add3A_10, %jit3A : i32
    %sign3A = arith.constant 0 : i32
    %sign3A_11 = arith.cmpi sgt, %add3A_10, %sign3A : i32
    %sign3A_12 = arith.extui %sign3A_11 : i1 to i32
    %sign3A_13 = arith.constant 0 : i32
    %sign3A_14 = arith.cmpi slt, %add3A_10, %sign3A_13 : i32
    %sign3A_15 = arith.extui %sign3A_14 : i1 to i32
    %sign3A_16 = arith.subi %sign3A_12, %sign3A_15 : i32
    %sign3A_17 = arith.constant 0 : i32
    %sign3A_18 = arith.cmpi sgt, %jit3A, %sign3A_17 : i32
    %sign3A_19 = arith.extui %sign3A_18 : i1 to i32
    %sign3A_20 = arith.constant 0 : i32
    %sign3A_21 = arith.cmpi slt, %jit3A, %sign3A_20 : i32
    %sign3A_22 = arith.extui %sign3A_21 : i1 to i32
    %sign3A_23 = arith.subi %sign3A_19, %sign3A_22 : i32
    %ne3A = arith.cmpi ne, %sign3A_16, %sign3A_23 : i32
    %rem3A = arith.remsi %add3A_10, %jit3A : i32
    %ne3A_24 = arith.constant 0 : i32
    %ne3A_25 = arith.cmpi ne, %rem3A, %ne3A_24 : i32
    %and3A = arith.andi %ne3A, %ne3A_25 : i1
    %sub3A = arith.constant 1 : i32
    %sub3A_26 = arith.subi %div3A, %sub3A : i32
    %select_n3A = arith.select %and3A, %sub3A_26, %div3A : i32
    "tpu.region"() ({
      %run_scoped3A = tpu.sem_alloc : memref<!tpu.dma_semaphore, #tpu.memory_space<semaphore_mem>>
      %dma_start3A_100 = arith.constant 0 : i32
      %dma_start3A_101 = tpu.memref_slice %arg3[%select_n3A, %dma_start3A_100] : memref<3200x50xi32, #tpu.memory_space<hbm>> -> memref<100x50xi32, #tpu.memory_space<hbm>>
      %dma_start3A_102 = arith.constant 0 : i32
      %dma_start3A_103 = tpu.memref_slice %arg3[%select_n3A, %dma_start3A_102] : memref<3200x50xi32, #tpu.memory_space<hbm>> -> memref<100x50xi32, #tpu.memory_space<hbm>>
      tpu.enqueue_dma source(%dma_start3A_103 : memref<100x50xi32, #tpu.memory_space<hbm>>) target(%arg7 : memref<100x50xi32, #tpu.memory_space<vmem>>) target_semaphore(%run_scoped3A : memref<!tpu.dma_semaphore, #tpu.memory_space<semaphore_mem>>)
      %dma_wait3A_104 = arith.constant 0 : i32
      %dma_wait3A_105 = tpu.memref_slice %arg3[%select_n3A, %dma_wait3A_104] : memref<3200x50xi32, #tpu.memory_space<hbm>> -> memref<100x50xi32, #tpu.memory_space<hbm>>
      %dma_wait3A_106 = arith.constant 0 : i32
      %dma_wait3A_107 = tpu.memref_slice %arg3[%select_n3A, %dma_wait3A_106] : memref<3200x50xi32, #tpu.memory_space<hbm>> -> memref<100x50xi32, #tpu.memory_space<hbm>>
      tpu.wait_dma2 semaphore(%run_scoped3A : memref<!tpu.dma_semaphore, #tpu.memory_space<semaphore_mem>>) src(%dma_wait3A_107 : memref<100x50xi32, #tpu.memory_space<hbm>>) dst(%arg7 : memref<100x50xi32, #tpu.memory_space<vmem>>)
      tpu.yield
    }) : () -> ()
    "tpu.region"() ({
      %run_scoped3A = tpu.sem_alloc : memref<!tpu.dma_semaphore, #tpu.memory_space<semaphore_mem>>
      %dma_start3A_100 = arith.constant 0 : i32
      %dma_start3A_101 = tpu.memref_slice %arg4[%select_n3A, %dma_start3A_100] : memref<3200x50xi32, #tpu.memory_space<hbm>> -> memref<100x50xi32, #tpu.memory_space<hbm>>
      %dma_start3A_102 = arith.constant 0 : i32
      %dma_start3A_103 = tpu.memref_slice %arg4[%select_n3A, %dma_start3A_102] : memref<3200x50xi32, #tpu.memory_space<hbm>> -> memref<100x50xi32, #tpu.memory_space<hbm>>
      tpu.enqueue_dma source(%dma_start3A_103 : memref<100x50xi32, #tpu.memory_space<hbm>>) target(%arg8 : memref<100x50xi32, #tpu.memory_space<vmem>>) target_semaphore(%run_scoped3A : memref<!tpu.dma_semaphore, #tpu.memory_space<semaphore_mem>>)
      %dma_wait3A_104 = arith.constant 0 : i32
      %dma_wait3A_105 = tpu.memref_slice %arg4[%select_n3A, %dma_wait3A_104] : memref<3200x50xi32, #tpu.memory_space<hbm>> -> memref<100x50xi32, #tpu.memory_space<hbm>>
      %dma_wait3A_106 = arith.constant 0 : i32
      %dma_wait3A_107 = tpu.memref_slice %arg4[%select_n3A, %dma_wait3A_106] : memref<3200x50xi32, #tpu.memory_space<hbm>> -> memref<100x50xi32, #tpu.memory_space<hbm>>
      tpu.wait_dma2 semaphore(%run_scoped3A : memref<!tpu.dma_semaphore, #tpu.memory_space<semaphore_mem>>) src(%dma_wait3A_107 : memref<100x50xi32, #tpu.memory_space<hbm>>) dst(%arg8 : memref<100x50xi32, #tpu.memory_space<vmem>>)
      tpu.yield
    }) : () -> ()
    %barrier3A = arith.constant 0 : index
    tpu.barrier barrier_id(%barrier3A)
    %dma_start3A = arith.constant 0 : i32
    %dma_start3A_27 = arith.constant 0 : i32
    %dma_start3A_28 = tpu.memref_slice %arg7[%dma_start3A, %dma_start3A_27] : memref<100x50xi32, #tpu.memory_space<vmem>> -> memref<1x50xi32, #tpu.memory_space<vmem>>
    %dma_start3A_29 = tpu.memref_squeeze %dma_start3A_28 : memref<1x50xi32, #tpu.memory_space<vmem>> -> memref<50xi32, #tpu.memory_space<vmem>>
    %dma_start3A_30 = arith.constant 0 : i32
    %dma_start3A_31 = arith.constant 0 : i32
    %dma_start3A_32 = tpu.memref_slice %arg2[%dma_start3A_30, %dma_start3A_31] : memref<10000x128xf32, #tpu.memory_space<hbm>> -> memref<10000x128xf32, #tpu.memory_space<hbm>>
    tpu.enqueue_indirect_dma source(%dma_start3A_32 : memref<10000x128xf32, #tpu.memory_space<hbm>>) target(%arg9 : memref<50x128xf32, #tpu.memory_space<vmem>>) offsets(%dma_start3A_29 : memref<50xi32, #tpu.memory_space<vmem>>) semaphore(%arg13 : memref<!tpu.dma_semaphore, #tpu.memory_space<semaphore_mem>>)
    %dma_start3A_33 = arith.constant 1 : i32
    %dma_start3A_34 = arith.constant 0 : i32
    %dma_start3A_35 = tpu.memref_slice %arg7[%dma_start3A_33, %dma_start3A_34] : memref<100x50xi32, #tpu.memory_space<vmem>> -> memref<1x50xi32, #tpu.memory_space<vmem>>
    %dma_start3A_36 = tpu.memref_squeeze %dma_start3A_35 : memref<1x50xi32, #tpu.memory_space<vmem>> -> memref<50xi32, #tpu.memory_space<vmem>>
    %dma_start3A_37 = arith.constant 0 : i32
    %dma_start3A_38 = arith.constant 0 : i32
    %dma_start3A_39 = tpu.memref_slice %arg2[%dma_start3A_37, %dma_start3A_38] : memref<10000x128xf32, #tpu.memory_space<hbm>> -> memref<10000x128xf32, #tpu.memory_space<hbm>>
    tpu.enqueue_indirect_dma source(%dma_start3A_39 : memref<10000x128xf32, #tpu.memory_space<hbm>>) target(%arg10 : memref<50x128xf32, #tpu.memory_space<vmem>>) offsets(%dma_start3A_36 : memref<50xi32, #tpu.memory_space<vmem>>) semaphore(%arg14 : memref<!tpu.dma_semaphore, #tpu.memory_space<semaphore_mem>>)
    %dma_start3A_40 = arith.constant 2 : i32
    %dma_start3A_41 = arith.constant 0 : i32
    %dma_start3A_42 = tpu.memref_slice %arg7[%dma_start3A_40, %dma_start3A_41] : memref<100x50xi32, #tpu.memory_space<vmem>> -> memref<1x50xi32, #tpu.memory_space<vmem>>
    %dma_start3A_43 = tpu.memref_squeeze %dma_start3A_42 : memref<1x50xi32, #tpu.memory_space<vmem>> -> memref<50xi32, #tpu.memory_space<vmem>>
    %dma_start3A_44 = arith.constant 0 : i32
    %dma_start3A_45 = arith.constant 0 : i32
    %dma_start3A_46 = tpu.memref_slice %arg2[%dma_start3A_44, %dma_start3A_45] : memref<10000x128xf32, #tpu.memory_space<hbm>> -> memref<10000x128xf32, #tpu.memory_space<hbm>>
    tpu.enqueue_indirect_dma source(%dma_start3A_46 : memref<10000x128xf32, #tpu.memory_space<hbm>>) target(%arg11 : memref<50x128xf32, #tpu.memory_space<vmem>>) offsets(%dma_start3A_43 : memref<50xi32, #tpu.memory_space<vmem>>) semaphore(%arg15 : memref<!tpu.dma_semaphore, #tpu.memory_space<semaphore_mem>>)
    %dma_start3A_47 = arith.constant 3 : i32
    %dma_start3A_48 = arith.constant 0 : i32
    %dma_start3A_49 = tpu.memref_slice %arg7[%dma_start3A_47, %dma_start3A_48] : memref<100x50xi32, #tpu.memory_space<vmem>> -> memref<1x50xi32, #tpu.memory_space<vmem>>
    %dma_start3A_50 = tpu.memref_squeeze %dma_start3A_49 : memref<1x50xi32, #tpu.memory_space<vmem>> -> memref<50xi32, #tpu.memory_space<vmem>>
    %dma_start3A_51 = arith.constant 0 : i32
    %dma_start3A_52 = arith.constant 0 : i32
    %dma_start3A_53 = tpu.memref_slice %arg2[%dma_start3A_51, %dma_start3A_52] : memref<10000x128xf32, #tpu.memory_space<hbm>> -> memref<10000x128xf32, #tpu.memory_space<hbm>>
    tpu.enqueue_indirect_dma source(%dma_start3A_53 : memref<10000x128xf32, #tpu.memory_space<hbm>>) target(%arg12 : memref<50x128xf32, #tpu.memory_space<vmem>>) offsets(%dma_start3A_50 : memref<50xi32, #tpu.memory_space<vmem>>) semaphore(%arg16 : memref<!tpu.dma_semaphore, #tpu.memory_space<semaphore_mem>>)
    %scan3A = arith.constant 0 : i32
    %scan3A_54 = arith.constant 0 : i32
    %scan3A_55 = arith.constant 25 : i32
    %scan3A_56 = arith.addi %scan3A_54, %scan3A_55 : i32
    %scan3A_57 = arith.constant 1 : i32
    %scan3A_58 = scf.for %scan3A_100 = %scan3A_54 to %scan3A_56 step %scan3A_57 iter_args(%scan3A_101 = %scan3A) -> (i32)  : i32 {
      %mul3A_102 = arith.constant 4 : i32
      %mul3A_103 = arith.muli %scan3A_100, %mul3A_102 : i32
      %add3A_104 = arith.constant 0 : i32
      %add3A_105 = arith.addi %mul3A_103, %add3A_104 : i32
      %dma_wait3A_106 = arith.constant 0 : i32
      %dma_wait3A_107 = tpu.memref_slice %arg7[%add3A_105, %dma_wait3A_106] : memref<100x50xi32, #tpu.memory_space<vmem>> -> memref<1x50xi32, #tpu.memory_space<vmem>>
      %dma_wait3A_108 = tpu.memref_squeeze %dma_wait3A_107 : memref<1x50xi32, #tpu.memory_space<vmem>> -> memref<50xi32, #tpu.memory_space<vmem>>
      %dma_wait3A_109 = arith.constant 0 : i32
      %dma_wait3A_110 = arith.constant 0 : i32
      %dma_wait3A_111 = tpu.memref_slice %arg2[%dma_wait3A_109, %dma_wait3A_110] : memref<10000x128xf32, #tpu.memory_space<hbm>> -> memref<10000x128xf32, #tpu.memory_space<hbm>>
      tpu.wait_indirect_dma semaphore(%arg13 : memref<!tpu.dma_semaphore, #tpu.memory_space<semaphore_mem>>) src(%dma_wait3A_111 : memref<10000x128xf32, #tpu.memory_space<hbm>>) dst(%arg9 : memref<50x128xf32, #tpu.memory_space<vmem>>)
      %dma_start3A_112 = arith.constant 0 : i32
      %dma_start3A_113 = tpu.memref_slice %arg8[%add3A_105, %dma_start3A_112] : memref<100x50xi32, #tpu.memory_space<vmem>> -> memref<1x50xi32, #tpu.memory_space<vmem>>
      %dma_start3A_114 = tpu.memref_squeeze %dma_start3A_113 : memref<1x50xi32, #tpu.memory_space<vmem>> -> memref<50xi32, #tpu.memory_space<vmem>>
      %dma_start3A_115 = arith.constant 0 : i32
      %dma_start3A_116 = arith.constant 0 : i32
      %dma_start3A_117 = tpu.memref_slice %arg6[%dma_start3A_115, %dma_start3A_116] : memref<10000x128xf32, #tpu.memory_space<vmem_shared>> -> memref<10000x128xf32, #tpu.memory_space<vmem_shared>>
      tpu.enqueue_indirect_dma source(%arg9 : memref<50x128xf32, #tpu.memory_space<vmem>>) target(%dma_start3A_117 : memref<10000x128xf32, #tpu.memory_space<vmem_shared>>) offsets(%dma_start3A_114 : memref<50xi32, #tpu.memory_space<vmem>>) semaphore(%arg17 : memref<!tpu.dma_semaphore, #tpu.memory_space<semaphore_mem>>) {add = true}
      %lt3A = arith.constant 24 : i32
      %lt3A_118 = arith.cmpi slt, %scan3A_100, %lt3A : i32
      %convert_element_type3A_119 = arith.extui %lt3A_118 : i1 to i32
      %cond3A_120 = arith.constant 0 : i32
      %cond3A_121 = arith.cmpi ne, %convert_element_type3A_119, %cond3A_120 : i32
      scf.if %cond3A_121 {
        %dma_wait3A_180 = arith.constant 0 : i32
        %dma_wait3A_181 = tpu.memref_slice %arg8[%add3A_105, %dma_wait3A_180] : memref<100x50xi32, #tpu.memory_space<vmem>> -> memref<1x50xi32, #tpu.memory_space<vmem>>
        %dma_wait3A_182 = tpu.memref_squeeze %dma_wait3A_181 : memref<1x50xi32, #tpu.memory_space<vmem>> -> memref<50xi32, #tpu.memory_space<vmem>>
        %dma_wait3A_183 = arith.constant 0 : i32
        %dma_wait3A_184 = arith.constant 0 : i32
        %dma_wait3A_185 = tpu.memref_slice %arg6[%dma_wait3A_183, %dma_wait3A_184] : memref<10000x128xf32, #tpu.memory_space<vmem_shared>> -> memref<10000x128xf32, #tpu.memory_space<vmem_shared>>
        tpu.wait_indirect_dma semaphore(%arg17 : memref<!tpu.dma_semaphore, #tpu.memory_space<semaphore_mem>>) src(%arg9 : memref<50x128xf32, #tpu.memory_space<vmem>>) dst(%dma_wait3A_185 : memref<10000x128xf32, #tpu.memory_space<vmem_shared>>)
        %add3A_186 = arith.constant 4 : i32
        %add3A_187 = arith.addi %add3A_105, %add3A_186 : i32
        %dma_start3A_188 = arith.constant 0 : i32
        %dma_start3A_189 = tpu.memref_slice %arg7[%add3A_187, %dma_start3A_188] : memref<100x50xi32, #tpu.memory_space<vmem>> -> memref<1x50xi32, #tpu.memory_space<vmem>>
        %dma_start3A_190 = tpu.memref_squeeze %dma_start3A_189 : memref<1x50xi32, #tpu.memory_space<vmem>> -> memref<50xi32, #tpu.memory_space<vmem>>
        %dma_start3A_191 = arith.constant 0 : i32
        %dma_start3A_192 = arith.constant 0 : i32
        %dma_start3A_193 = tpu.memref_slice %arg2[%dma_start3A_191, %dma_start3A_192] : memref<10000x128xf32, #tpu.memory_space<hbm>> -> memref<10000x128xf32, #tpu.memory_space<hbm>>
        tpu.enqueue_indirect_dma source(%dma_start3A_193 : memref<10000x128xf32, #tpu.memory_space<hbm>>) target(%arg9 : memref<50x128xf32, #tpu.memory_space<vmem>>) offsets(%dma_start3A_190 : memref<50xi32, #tpu.memory_space<vmem>>) semaphore(%arg13 : memref<!tpu.dma_semaphore, #tpu.memory_space<semaphore_mem>>)
      } else {
      }
      %add3A_122 = arith.constant 1 : i32
      %add3A_123 = arith.addi %mul3A_103, %add3A_122 : i32
      %dma_wait3A_124 = arith.constant 0 : i32
      %dma_wait3A_125 = tpu.memref_slice %arg7[%add3A_123, %dma_wait3A_124] : memref<100x50xi32, #tpu.memory_space<vmem>> -> memref<1x50xi32, #tpu.memory_space<vmem>>
      %dma_wait3A_126 = tpu.memref_squeeze %dma_wait3A_125 : memref<1x50xi32, #tpu.memory_space<vmem>> -> memref<50xi32, #tpu.memory_space<vmem>>
      %dma_wait3A_127 = arith.constant 0 : i32
      %dma_wait3A_128 = arith.constant 0 : i32
      %dma_wait3A_129 = tpu.memref_slice %arg2[%dma_wait3A_127, %dma_wait3A_128] : memref<10000x128xf32, #tpu.memory_space<hbm>> -> memref<10000x128xf32, #tpu.memory_space<hbm>>
      tpu.wait_indirect_dma semaphore(%arg14 : memref<!tpu.dma_semaphore, #tpu.memory_space<semaphore_mem>>) src(%dma_wait3A_129 : memref<10000x128xf32, #tpu.memory_space<hbm>>) dst(%arg10 : memref<50x128xf32, #tpu.memory_space<vmem>>)
      %dma_start3A_130 = arith.constant 0 : i32
      %dma_start3A_131 = tpu.memref_slice %arg8[%add3A_123, %dma_start3A_130] : memref<100x50xi32, #tpu.memory_space<vmem>> -> memref<1x50xi32, #tpu.memory_space<vmem>>
      %dma_start3A_132 = tpu.memref_squeeze %dma_start3A_131 : memref<1x50xi32, #tpu.memory_space<vmem>> -> memref<50xi32, #tpu.memory_space<vmem>>
      %dma_start3A_133 = arith.constant 0 : i32
      %dma_start3A_134 = arith.constant 0 : i32
      %dma_start3A_135 = tpu.memref_slice %arg6[%dma_start3A_133, %dma_start3A_134] : memref<10000x128xf32, #tpu.memory_space<vmem_shared>> -> memref<10000x128xf32, #tpu.memory_space<vmem_shared>>
      tpu.enqueue_indirect_dma source(%arg10 : memref<50x128xf32, #tpu.memory_space<vmem>>) target(%dma_start3A_135 : memref<10000x128xf32, #tpu.memory_space<vmem_shared>>) offsets(%dma_start3A_132 : memref<50xi32, #tpu.memory_space<vmem>>) semaphore(%arg18 : memref<!tpu.dma_semaphore, #tpu.memory_space<semaphore_mem>>) {add = true}
      %lt3A_136 = arith.constant 24 : i32
      %lt3A_137 = arith.cmpi slt, %scan3A_100, %lt3A_136 : i32
      %convert_element_type3A_138 = arith.extui %lt3A_137 : i1 to i32
      %cond3A_139 = arith.constant 0 : i32
      %cond3A_140 = arith.cmpi ne, %convert_element_type3A_138, %cond3A_139 : i32
      scf.if %cond3A_140 {
        %dma_wait3A_180 = arith.constant 0 : i32
        %dma_wait3A_181 = tpu.memref_slice %arg8[%add3A_123, %dma_wait3A_180] : memref<100x50xi32, #tpu.memory_space<vmem>> -> memref<1x50xi32, #tpu.memory_space<vmem>>
        %dma_wait3A_182 = tpu.memref_squeeze %dma_wait3A_181 : memref<1x50xi32, #tpu.memory_space<vmem>> -> memref<50xi32, #tpu.memory_space<vmem>>
        %dma_wait3A_183 = arith.constant 0 : i32
        %dma_wait3A_184 = arith.constant 0 : i32
        %dma_wait3A_185 = tpu.memref_slice %arg6[%dma_wait3A_183, %dma_wait3A_184] : memref<10000x128xf32, #tpu.memory_space<vmem_shared>> -> memref<10000x128xf32, #tpu.memory_space<vmem_shared>>
        tpu.wait_indirect_dma semaphore(%arg18 : memref<!tpu.dma_semaphore, #tpu.memory_space<semaphore_mem>>) src(%arg10 : memref<50x128xf32, #tpu.memory_space<vmem>>) dst(%dma_wait3A_185 : memref<10000x128xf32, #tpu.memory_space<vmem_shared>>)
        %add3A_186 = arith.constant 4 : i32
        %add3A_187 = arith.addi %add3A_123, %add3A_186 : i32
        %dma_start3A_188 = arith.constant 0 : i32
        %dma_start3A_189 = tpu.memref_slice %arg7[%add3A_187, %dma_start3A_188] : memref<100x50xi32, #tpu.memory_space<vmem>> -> memref<1x50xi32, #tpu.memory_space<vmem>>
        %dma_start3A_190 = tpu.memref_squeeze %dma_start3A_189 : memref<1x50xi32, #tpu.memory_space<vmem>> -> memref<50xi32, #tpu.memory_space<vmem>>
        %dma_start3A_191 = arith.constant 0 : i32
        %dma_start3A_192 = arith.constant 0 : i32
        %dma_start3A_193 = tpu.memref_slice %arg2[%dma_start3A_191, %dma_start3A_192] : memref<10000x128xf32, #tpu.memory_space<hbm>> -> memref<10000x128xf32, #tpu.memory_space<hbm>>
        tpu.enqueue_indirect_dma source(%dma_start3A_193 : memref<10000x128xf32, #tpu.memory_space<hbm>>) target(%arg10 : memref<50x128xf32, #tpu.memory_space<vmem>>) offsets(%dma_start3A_190 : memref<50xi32, #tpu.memory_space<vmem>>) semaphore(%arg14 : memref<!tpu.dma_semaphore, #tpu.memory_space<semaphore_mem>>)
      } else {
      }
      %add3A_141 = arith.constant 2 : i32
      %add3A_142 = arith.addi %mul3A_103, %add3A_141 : i32
      %dma_wait3A_143 = arith.constant 0 : i32
      %dma_wait3A_144 = tpu.memref_slice %arg7[%add3A_142, %dma_wait3A_143] : memref<100x50xi32, #tpu.memory_space<vmem>> -> memref<1x50xi32, #tpu.memory_space<vmem>>
      %dma_wait3A_145 = tpu.memref_squeeze %dma_wait3A_144 : memref<1x50xi32, #tpu.memory_space<vmem>> -> memref<50xi32, #tpu.memory_space<vmem>>
      %dma_wait3A_146 = arith.constant 0 : i32
      %dma_wait3A_147 = arith.constant 0 : i32
      %dma_wait3A_148 = tpu.memref_slice %arg2[%dma_wait3A_146, %dma_wait3A_147] : memref<10000x128xf32, #tpu.memory_space<hbm>> -> memref<10000x128xf32, #tpu.memory_space<hbm>>
      tpu.wait_indirect_dma semaphore(%arg15 : memref<!tpu.dma_semaphore, #tpu.memory_space<semaphore_mem>>) src(%dma_wait3A_148 : memref<10000x128xf32, #tpu.memory_space<hbm>>) dst(%arg11 : memref<50x128xf32, #tpu.memory_space<vmem>>)
      %dma_start3A_149 = arith.constant 0 : i32
      %dma_start3A_150 = tpu.memref_slice %arg8[%add3A_142, %dma_start3A_149] : memref<100x50xi32, #tpu.memory_space<vmem>> -> memref<1x50xi32, #tpu.memory_space<vmem>>
      %dma_start3A_151 = tpu.memref_squeeze %dma_start3A_150 : memref<1x50xi32, #tpu.memory_space<vmem>> -> memref<50xi32, #tpu.memory_space<vmem>>
      %dma_start3A_152 = arith.constant 0 : i32
      %dma_start3A_153 = arith.constant 0 : i32
      %dma_start3A_154 = tpu.memref_slice %arg6[%dma_start3A_152, %dma_start3A_153] : memref<10000x128xf32, #tpu.memory_space<vmem_shared>> -> memref<10000x128xf32, #tpu.memory_space<vmem_shared>>
      tpu.enqueue_indirect_dma source(%arg11 : memref<50x128xf32, #tpu.memory_space<vmem>>) target(%dma_start3A_154 : memref<10000x128xf32, #tpu.memory_space<vmem_shared>>) offsets(%dma_start3A_151 : memref<50xi32, #tpu.memory_space<vmem>>) semaphore(%arg19 : memref<!tpu.dma_semaphore, #tpu.memory_space<semaphore_mem>>) {add = true}
      %lt3A_155 = arith.constant 24 : i32
      %lt3A_156 = arith.cmpi slt, %scan3A_100, %lt3A_155 : i32
      %convert_element_type3A_157 = arith.extui %lt3A_156 : i1 to i32
      %cond3A_158 = arith.constant 0 : i32
      %cond3A_159 = arith.cmpi ne, %convert_element_type3A_157, %cond3A_158 : i32
      scf.if %cond3A_159 {
        %dma_wait3A_180 = arith.constant 0 : i32
        %dma_wait3A_181 = tpu.memref_slice %arg8[%add3A_142, %dma_wait3A_180] : memref<100x50xi32, #tpu.memory_space<vmem>> -> memref<1x50xi32, #tpu.memory_space<vmem>>
        %dma_wait3A_182 = tpu.memref_squeeze %dma_wait3A_181 : memref<1x50xi32, #tpu.memory_space<vmem>> -> memref<50xi32, #tpu.memory_space<vmem>>
        %dma_wait3A_183 = arith.constant 0 : i32
        %dma_wait3A_184 = arith.constant 0 : i32
        %dma_wait3A_185 = tpu.memref_slice %arg6[%dma_wait3A_183, %dma_wait3A_184] : memref<10000x128xf32, #tpu.memory_space<vmem_shared>> -> memref<10000x128xf32, #tpu.memory_space<vmem_shared>>
        tpu.wait_indirect_dma semaphore(%arg19 : memref<!tpu.dma_semaphore, #tpu.memory_space<semaphore_mem>>) src(%arg11 : memref<50x128xf32, #tpu.memory_space<vmem>>) dst(%dma_wait3A_185 : memref<10000x128xf32, #tpu.memory_space<vmem_shared>>)
        %add3A_186 = arith.constant 4 : i32
        %add3A_187 = arith.addi %add3A_142, %add3A_186 : i32
        %dma_start3A_188 = arith.constant 0 : i32
        %dma_start3A_189 = tpu.memref_slice %arg7[%add3A_187, %dma_start3A_188] : memref<100x50xi32, #tpu.memory_space<vmem>> -> memref<1x50xi32, #tpu.memory_space<vmem>>
        %dma_start3A_190 = tpu.memref_squeeze %dma_start3A_189 : memref<1x50xi32, #tpu.memory_space<vmem>> -> memref<50xi32, #tpu.memory_space<vmem>>
        %dma_start3A_191 = arith.constant 0 : i32
        %dma_start3A_192 = arith.constant 0 : i32
        %dma_start3A_193 = tpu.memref_slice %arg2[%dma_start3A_191, %dma_start3A_192] : memref<10000x128xf32, #tpu.memory_space<hbm>> -> memref<10000x128xf32, #tpu.memory_space<hbm>>
        tpu.enqueue_indirect_dma source(%dma_start3A_193 : memref<10000x128xf32, #tpu.memory_space<hbm>>) target(%arg11 : memref<50x128xf32, #tpu.memory_space<vmem>>) offsets(%dma_start3A_190 : memref<50xi32, #tpu.memory_space<vmem>>) semaphore(%arg15 : memref<!tpu.dma_semaphore, #tpu.memory_space<semaphore_mem>>)
      } else {
      }
      %add3A_160 = arith.constant 3 : i32
      %add3A_161 = arith.addi %mul3A_103, %add3A_160 : i32
      %dma_wait3A_162 = arith.constant 0 : i32
      %dma_wait3A_163 = tpu.memref_slice %arg7[%add3A_161, %dma_wait3A_162] : memref<100x50xi32, #tpu.memory_space<vmem>> -> memref<1x50xi32, #tpu.memory_space<vmem>>
      %dma_wait3A_164 = tpu.memref_squeeze %dma_wait3A_163 : memref<1x50xi32, #tpu.memory_space<vmem>> -> memref<50xi32, #tpu.memory_space<vmem>>
      %dma_wait3A_165 = arith.constant 0 : i32
      %dma_wait3A_166 = arith.constant 0 : i32
      %dma_wait3A_167 = tpu.memref_slice %arg2[%dma_wait3A_165, %dma_wait3A_166] : memref<10000x128xf32, #tpu.memory_space<hbm>> -> memref<10000x128xf32, #tpu.memory_space<hbm>>
      tpu.wait_indirect_dma semaphore(%arg16 : memref<!tpu.dma_semaphore, #tpu.memory_space<semaphore_mem>>) src(%dma_wait3A_167 : memref<10000x128xf32, #tpu.memory_space<hbm>>) dst(%arg12 : memref<50x128xf32, #tpu.memory_space<vmem>>)
      %dma_start3A_168 = arith.constant 0 : i32
      %dma_start3A_169 = tpu.memref_slice %arg8[%add3A_161, %dma_start3A_168] : memref<100x50xi32, #tpu.memory_space<vmem>> -> memref<1x50xi32, #tpu.memory_space<vmem>>
      %dma_start3A_170 = tpu.memref_squeeze %dma_start3A_169 : memref<1x50xi32, #tpu.memory_space<vmem>> -> memref<50xi32, #tpu.memory_space<vmem>>
      %dma_start3A_171 = arith.constant 0 : i32
      %dma_start3A_172 = arith.constant 0 : i32
      %dma_start3A_173 = tpu.memref_slice %arg6[%dma_start3A_171, %dma_start3A_172] : memref<10000x128xf32, #tpu.memory_space<vmem_shared>> -> memref<10000x128xf32, #tpu.memory_space<vmem_shared>>
      tpu.enqueue_indirect_dma source(%arg12 : memref<50x128xf32, #tpu.memory_space<vmem>>) target(%dma_start3A_173 : memref<10000x128xf32, #tpu.memory_space<vmem_shared>>) offsets(%dma_start3A_170 : memref<50xi32, #tpu.memory_space<vmem>>) semaphore(%arg20 : memref<!tpu.dma_semaphore, #tpu.memory_space<semaphore_mem>>) {add = true}
      %lt3A_174 = arith.constant 24 : i32
      %lt3A_175 = arith.cmpi slt, %scan3A_100, %lt3A_174 : i32
      %convert_element_type3A_176 = arith.extui %lt3A_175 : i1 to i32
      %cond3A_177 = arith.constant 0 : i32
      %cond3A_178 = arith.cmpi ne, %convert_element_type3A_176, %cond3A_177 : i32
      scf.if %cond3A_178 {
        %dma_wait3A_180 = arith.constant 0 : i32
        %dma_wait3A_181 = tpu.memref_slice %arg8[%add3A_161, %dma_wait3A_180] : memref<100x50xi32, #tpu.memory_space<vmem>> -> memref<1x50xi32, #tpu.memory_space<vmem>>
        %dma_wait3A_182 = tpu.memref_squeeze %dma_wait3A_181 : memref<1x50xi32, #tpu.memory_space<vmem>> -> memref<50xi32, #tpu.memory_space<vmem>>
        %dma_wait3A_183 = arith.constant 0 : i32
        %dma_wait3A_184 = arith.constant 0 : i32
        %dma_wait3A_185 = tpu.memref_slice %arg6[%dma_wait3A_183, %dma_wait3A_184] : memref<10000x128xf32, #tpu.memory_space<vmem_shared>> -> memref<10000x128xf32, #tpu.memory_space<vmem_shared>>
        tpu.wait_indirect_dma semaphore(%arg20 : memref<!tpu.dma_semaphore, #tpu.memory_space<semaphore_mem>>) src(%arg12 : memref<50x128xf32, #tpu.memory_space<vmem>>) dst(%dma_wait3A_185 : memref<10000x128xf32, #tpu.memory_space<vmem_shared>>)
        %add3A_186 = arith.constant 4 : i32
        %add3A_187 = arith.addi %add3A_161, %add3A_186 : i32
        %dma_start3A_188 = arith.constant 0 : i32
        %dma_start3A_189 = tpu.memref_slice %arg7[%add3A_187, %dma_start3A_188] : memref<100x50xi32, #tpu.memory_space<vmem>> -> memref<1x50xi32, #tpu.memory_space<vmem>>
        %dma_start3A_190 = tpu.memref_squeeze %dma_start3A_189 : memref<1x50xi32, #tpu.memory_space<vmem>> -> memref<50xi32, #tpu.memory_space<vmem>>
        %dma_start3A_191 = arith.constant 0 : i32
        %dma_start3A_192 = arith.constant 0 : i32
        %dma_start3A_193 = tpu.memref_slice %arg2[%dma_start3A_191, %dma_start3A_192] : memref<10000x128xf32, #tpu.memory_space<hbm>> -> memref<10000x128xf32, #tpu.memory_space<hbm>>
        tpu.enqueue_indirect_dma source(%dma_start3A_193 : memref<10000x128xf32, #tpu.memory_space<hbm>>) target(%arg12 : memref<50x128xf32, #tpu.memory_space<vmem>>) offsets(%dma_start3A_190 : memref<50xi32, #tpu.memory_space<vmem>>) semaphore(%arg16 : memref<!tpu.dma_semaphore, #tpu.memory_space<semaphore_mem>>)
      } else {
      }
      %scan3A_179 = arith.constant 0 : i32
      scf.yield %scan3A_179 : i32
    }
    %scan3A_59 = arith.constant 25 : i32
    %dma_wait3A = arith.constant 96 : i32
    %dma_wait3A_60 = arith.constant 0 : i32
    %dma_wait3A_61 = tpu.memref_slice %arg8[%dma_wait3A, %dma_wait3A_60] : memref<100x50xi32, #tpu.memory_space<vmem>> -> memref<1x50xi32, #tpu.memory_space<vmem>>
    %dma_wait3A_62 = tpu.memref_squeeze %dma_wait3A_61 : memref<1x50xi32, #tpu.memory_space<vmem>> -> memref<50xi32, #tpu.memory_space<vmem>>
    %dma_wait3A_63 = arith.constant 0 : i32
    %dma_wait3A_64 = arith.constant 0 : i32
    %dma_wait3A_65 = tpu.memref_slice %arg6[%dma_wait3A_63, %dma_wait3A_64] : memref<10000x128xf32, #tpu.memory_space<vmem_shared>> -> memref<10000x128xf32, #tpu.memory_space<vmem_shared>>
    tpu.wait_indirect_dma semaphore(%arg17 : memref<!tpu.dma_semaphore, #tpu.memory_space<semaphore_mem>>) src(%arg9 : memref<50x128xf32, #tpu.memory_space<vmem>>) dst(%dma_wait3A_65 : memref<10000x128xf32, #tpu.memory_space<vmem_shared>>)
    %dma_wait3A_66 = arith.constant 97 : i32
    %dma_wait3A_67 = arith.constant 0 : i32
    %dma_wait3A_68 = tpu.memref_slice %arg8[%dma_wait3A_66, %dma_wait3A_67] : memref<100x50xi32, #tpu.memory_space<vmem>> -> memref<1x50xi32, #tpu.memory_space<vmem>>
    %dma_wait3A_69 = tpu.memref_squeeze %dma_wait3A_68 : memref<1x50xi32, #tpu.memory_space<vmem>> -> memref<50xi32, #tpu.memory_space<vmem>>
    %dma_wait3A_70 = arith.constant 0 : i32
    %dma_wait3A_71 = arith.constant 0 : i32
    %dma_wait3A_72 = tpu.memref_slice %arg6[%dma_wait3A_70, %dma_wait3A_71] : memref<10000x128xf32, #tpu.memory_space<vmem_shared>> -> memref<10000x128xf32, #tpu.memory_space<vmem_shared>>
    tpu.wait_indirect_dma semaphore(%arg18 : memref<!tpu.dma_semaphore, #tpu.memory_space<semaphore_mem>>) src(%arg10 : memref<50x128xf32, #tpu.memory_space<vmem>>) dst(%dma_wait3A_72 : memref<10000x128xf32, #tpu.memory_space<vmem_shared>>)
    %dma_wait3A_73 = arith.constant 98 : i32
    %dma_wait3A_74 = arith.constant 0 : i32
    %dma_wait3A_75 = tpu.memref_slice %arg8[%dma_wait3A_73, %dma_wait3A_74] : memref<100x50xi32, #tpu.memory_space<vmem>> -> memref<1x50xi32, #tpu.memory_space<vmem>>
    %dma_wait3A_76 = tpu.memref_squeeze %dma_wait3A_75 : memref<1x50xi32, #tpu.memory_space<vmem>> -> memref<50xi32, #tpu.memory_space<vmem>>
    %dma_wait3A_77 = arith.constant 0 : i32
    %dma_wait3A_78 = arith.constant 0 : i32
    %dma_wait3A_79 = tpu.memref_slice %arg6[%dma_wait3A_77, %dma_wait3A_78] : memref<10000x128xf32, #tpu.memory_space<vmem_shared>> -> memref<10000x128xf32, #tpu.memory_space<vmem_shared>>
    tpu.wait_indirect_dma semaphore(%arg19 : memref<!tpu.dma_semaphore, #tpu.memory_space<semaphore_mem>>) src(%arg11 : memref<50x128xf32, #tpu.memory_space<vmem>>) dst(%dma_wait3A_79 : memref<10000x128xf32, #tpu.memory_space<vmem_shared>>)
    %dma_wait3A_80 = arith.constant 99 : i32
    %dma_wait3A_81 = arith.constant 0 : i32
    %dma_wait3A_82 = tpu.memref_slice %arg8[%dma_wait3A_80, %dma_wait3A_81] : memref<100x50xi32, #tpu.memory_space<vmem>> -> memref<1x50xi32, #tpu.memory_space<vmem>>
    %dma_wait3A_83 = tpu.memref_squeeze %dma_wait3A_82 : memref<1x50xi32, #tpu.memory_space<vmem>> -> memref<50xi32, #tpu.memory_space<vmem>>
    %dma_wait3A_84 = arith.constant 0 : i32
    %dma_wait3A_85 = arith.constant 0 : i32
    %dma_wait3A_86 = tpu.memref_slice %arg6[%dma_wait3A_84, %dma_wait3A_85] : memref<10000x128xf32, #tpu.memory_space<vmem_shared>> -> memref<10000x128xf32, #tpu.memory_space<vmem_shared>>
    tpu.wait_indirect_dma semaphore(%arg20 : memref<!tpu.dma_semaphore, #tpu.memory_space<semaphore_mem>>) src(%arg12 : memref<50x128xf32, #tpu.memory_space<vmem>>) dst(%dma_wait3A_86 : memref<10000x128xf32, #tpu.memory_space<vmem_shared>>)
    %barrier3A_87 = arith.constant 0 : index
    tpu.barrier barrier_id(%barrier3A_87)
    %mul3A_88 = arith.constant 624 : i32
    %mul3A_89 = arith.muli %arg1, %mul3A_88 : i32
    %mul3A_90 = arith.constant 10000 : i32
    %mul3A_91 = arith.muli %arg0, %mul3A_90 : i32
    %mul3A_92 = arith.constant 624 : i32
    %mul3A_93 = arith.muli %arg1, %mul3A_92 : i32
    %add3A_94 = arith.addi %mul3A_91, %mul3A_93 : i32
    "tpu.region"() ({
      %run_scoped3A = tpu.sem_alloc : memref<!tpu.dma_semaphore, #tpu.memory_space<semaphore_mem>>
      %dma_start3A_100 = arith.constant 0 : i32
      %dma_start3A_101 = tpu.memref_slice %arg5[%add3A_94, %dma_start3A_100] : memref<20000x128xf32, #tpu.memory_space<hbm>> -> memref<624x128xf32, #tpu.memory_space<hbm>>
      %dma_start3A_102 = arith.constant 0 : i32
      %dma_start3A_103 = tpu.memref_slice %arg6[%mul3A_89, %dma_start3A_102] : memref<10000x128xf32, #tpu.memory_space<vmem_shared>> -> memref<624x128xf32, #tpu.memory_space<vmem_shared>>
      tpu.enqueue_dma source(%dma_start3A_103 : memref<624x128xf32, #tpu.memory_space<vmem_shared>>) target(%dma_start3A_101 : memref<624x128xf32, #tpu.memory_space<hbm>>) target_semaphore(%run_scoped3A : memref<!tpu.dma_semaphore, #tpu.memory_space<semaphore_mem>>)
      %dma_wait3A_104 = arith.constant 0 : i32
      %dma_wait3A_105 = tpu.memref_slice %arg5[%add3A_94, %dma_wait3A_104] : memref<20000x128xf32, #tpu.memory_space<hbm>> -> memref<624x128xf32, #tpu.memory_space<hbm>>
      %dma_wait3A_106 = arith.constant 0 : i32
      %dma_wait3A_107 = tpu.memref_slice %arg6[%mul3A_89, %dma_wait3A_106] : memref<10000x128xf32, #tpu.memory_space<vmem_shared>> -> memref<624x128xf32, #tpu.memory_space<vmem_shared>>
      tpu.wait_dma2 semaphore(%run_scoped3A : memref<!tpu.dma_semaphore, #tpu.memory_space<semaphore_mem>>) src(%dma_wait3A_107 : memref<624x128xf32, #tpu.memory_space<vmem_shared>>) dst(%dma_wait3A_105 : memref<624x128xf32, #tpu.memory_space<hbm>>)
      tpu.yield
    }) : () -> ()
    %eq3A_95 = arith.constant 0 : i32
    %eq3A_96 = arith.cmpi eq, %arg1, %eq3A_95 : i32
    %convert_element_type3A_97 = arith.extui %eq3A_96 : i1 to i32
    %cond3A_98 = arith.constant 0 : i32
    %cond3A_99 = arith.cmpi ne, %convert_element_type3A_97, %cond3A_98 : i32
    scf.if %cond3A_99 {
      %mul3A_100 = arith.constant 10000 : i32
      %mul3A_101 = arith.muli %arg0, %mul3A_100 : i32
      %add3A_102 = arith.constant 9984 : i32
      %add3A_103 = arith.addi %mul3A_101, %add3A_102 : i32
      "tpu.region"() ({
        %run_scoped3A = tpu.sem_alloc : memref<!tpu.dma_semaphore, #tpu.memory_space<semaphore_mem>>
        %dma_start3A_104 = arith.constant 0 : i32
        %dma_start3A_105 = tpu.memref_slice %arg5[%add3A_103, %dma_start3A_104] : memref<20000x128xf32, #tpu.memory_space<hbm>> -> memref<16x128xf32, #tpu.memory_space<hbm>>
        %dma_start3A_106 = arith.constant 9984 : i32
        %dma_start3A_107 = arith.constant 0 : i32
        %dma_start3A_108 = tpu.memref_slice %arg6[%dma_start3A_106, %dma_start3A_107] : memref<10000x128xf32, #tpu.memory_space<vmem_shared>> -> memref<16x128xf32, #tpu.memory_space<vmem_shared>>
        tpu.enqueue_dma source(%dma_start3A_108 : memref<16x128xf32, #tpu.memory_space<vmem_shared>>) target(%dma_start3A_105 : memref<16x128xf32, #tpu.memory_space<hbm>>) target_semaphore(%run_scoped3A : memref<!tpu.dma_semaphore, #tpu.memory_space<semaphore_mem>>)
        %dma_wait3A_109 = arith.constant 0 : i32
        %dma_wait3A_110 = tpu.memref_slice %arg5[%add3A_103, %dma_wait3A_109] : memref<20000x128xf32, #tpu.memory_space<hbm>> -> memref<16x128xf32, #tpu.memory_space<hbm>>
        %dma_wait3A_111 = arith.constant 9984 : i32
        %dma_wait3A_112 = arith.constant 0 : i32
        %dma_wait3A_113 = tpu.memref_slice %arg6[%dma_wait3A_111, %dma_wait3A_112] : memref<10000x128xf32, #tpu.memory_space<vmem_shared>> -> memref<16x128xf32, #tpu.memory_space<vmem_shared>>
        tpu.wait_dma2 semaphore(%run_scoped3A : memref<!tpu.dma_semaphore, #tpu.memory_space<semaphore_mem>>) src(%dma_wait3A_113 : memref<16x128xf32, #tpu.memory_space<vmem_shared>>) dst(%dma_wait3A_110 : memref<16x128xf32, #tpu.memory_space<hbm>>)
        tpu.yield
      }) : () -> ()
    } else {
    }
    return
  }
}

module attributes {stable_mosaic.version = 14 : i64} {
  func.func @_tc_a0_body(%arg0: i32, %arg1: memref<1000x256xf32, #tpu.memory_space<vmem>>, %arg2: memref<256x128xf32, #tpu.memory_space<vmem>>, %arg3: memref<1000x128xf32, #tpu.memory_space<vmem>>) attributes {dimension_semantics = [#tpu.dimension_semantics<arbitrary>], iteration_bounds = array<i64: 10>, scalar_prefetch = 0 : i64, scratch_operands = 0 : i64, tpu.core_type = #tpu.core_type<tc>, window_params = [{transform_indices = @transform_0, window_bounds = array<i64: 1000, 256>}, {pipeline_mode = #tpu.pipeline_mode<synchronous>, transform_indices = @transform_1, window_bounds = array<i64: 256, 128>}, {transform_indices = @transform_2, window_bounds = array<i64: 1000, 128>}]} {
    %get3A = arith.constant 0 : index
    %get3A_0 = arith.constant 0 : index
    %get3A_1 = vector.load %arg1[%get3A, %get3A_0] : memref<1000x256xf32, #tpu.memory_space<vmem>>, vector<1000x256xf32>
    %get3A_2 = arith.constant 0 : index
    %get3A_3 = arith.constant 0 : index
    %get3A_4 = vector.load %arg2[%get3A_2, %get3A_3] : memref<256x128xf32, #tpu.memory_space<vmem>>, vector<256x128xf32>
    %dot_general3A = arith.constant dense<0.000000e+00> : vector<1000x128xf32>
    %dot_general3A_5 = tpu.matmul %get3A_1, %get3A_4, %dot_general3A {dimension_numbers = #tpu.dot_dimension_numbers<[1], [0], [0], [1], [0, 0, 1, 1], [], []>, transpose_lhs_hint = false} : vector<1000x256xf32>, vector<256x128xf32>, vector<1000x128xf32> -> vector<1000x128xf32>
    %swap3A = arith.constant 0 : index
    %swap3A_6 = arith.constant 0 : index
    %swap3A_7 = vector.load %arg3[%swap3A, %swap3A_6] : memref<1000x128xf32, #tpu.memory_space<vmem>>, vector<1000x128xf32>
    tpu.vector_store %arg3[%swap3A, %swap3A_6], %dot_general3A_5 {strides = array<i32>} : memref<1000x128xf32, #tpu.memory_space<vmem>>, vector<1000x128xf32>,
    return
  }
  func.func @transform_0(%arg0: i32) -> (i32, i32) {
    %c0_i32 = arith.constant 0 : i32
    %c0_i32_0 = arith.constant 0 : i32
    return %arg0, %c0_i32 : i32, i32
  }
  func.func @transform_1(%arg0: i32) -> (i32, i32) {
    %c0_i32 = arith.constant 0 : i32
    %c0_i32_0 = arith.constant 0 : i32
    %c0_i32_1 = arith.constant 0 : i32
    return %c0_i32, %c0_i32_0 : i32, i32
  }
  func.func @transform_2(%arg0: i32) -> (i32, i32) {
    %c0_i32 = arith.constant 0 : i32
    %c0_i32_0 = arith.constant 0 : i32
    return %arg0, %c0_i32 : i32, i32
  }
}

module attributes {stable_mosaic.version = 14 : i64} {
  func.func @_tc_a1_body(%arg0: i32, %arg1: memref<1000x128xf32, #tpu.memory_space<vmem>>, %arg2: memref<1000x2xf32, #tpu.memory_space<vmem>>, %arg3: memref<1000x128xf32, #tpu.memory_space<vmem>>) attributes {dimension_semantics = [#tpu.dimension_semantics<arbitrary>], iteration_bounds = array<i64: 10>, scalar_prefetch = 0 : i64, scratch_operands = 0 : i64, tpu.core_type = #tpu.core_type<tc>, window_params = [{transform_indices = @transform_0, window_bounds = array<i64: 1000, 128>}, {transform_indices = @transform_1, window_bounds = array<i64: 1000, 2>}, {transform_indices = @transform_2, window_bounds = array<i64: 1000, 128>}]} {
    %get3A = arith.constant 0 : index
    %get3A_0 = arith.constant 0 : index
    %get3A_1 = vector.load %arg1[%get3A, %get3A_0] : memref<1000x128xf32, #tpu.memory_space<vmem>>, vector<1000x128xf32>
    %get3A_2 = arith.constant 0 : index
    %get3A_3 = arith.constant 0 : index
    %get3A_4 = vector.load %arg2[%get3A_2, %get3A_3] : memref<1000x2xf32, #tpu.memory_space<vmem>>, vector<1000x2xf32>
    %slice3A = vector.extract_strided_slice %get3A_4 {offsets = [0, 0], sizes = [1000, 1], strides = [1, 1]} : vector<1000x2xf32> to vector<1000x1xf32>
    %squeeze3A = vector.shape_cast %slice3A : vector<1000x1xf32> to vector<1000xf32>
    %slice3A_5 = vector.extract_strided_slice %get3A_4 {offsets = [0, 1], sizes = [1000, 1], strides = [1, 1]} : vector<1000x2xf32> to vector<1000x1xf32>
    %squeeze3A_6 = vector.shape_cast %slice3A_5 : vector<1000x1xf32> to vector<1000xf32>
    %add3A = arith.addf %squeeze3A, %squeeze3A_6 : vector<1000xf32>
    %add3A_7 = arith.constant 1.000000e+00 : f32
    %add3A_8 = vector.broadcast %add3A_7 : f32 to vector<1000xf32>
    %add3A_9 = arith.addf %add3A, %add3A_8 : vector<1000xf32>
    %rsqrt3A = math.rsqrt %add3A_9 : vector<1000xf32>
    %broadcast_in_dim3A = vector.shape_cast %rsqrt3A : vector<1000xf32> to vector<1000x1xf32>
    %mul3A = vector.broadcast %broadcast_in_dim3A : vector<1000x1xf32> to vector<1000x128xf32>
    %mul3A_10 = arith.mulf %get3A_1, %mul3A : vector<1000x128xf32>
    %swap3A = arith.constant 0 : index
    %swap3A_11 = arith.constant 0 : index
    %swap3A_12 = vector.load %arg3[%swap3A, %swap3A_11] : memref<1000x128xf32, #tpu.memory_space<vmem>>, vector<1000x128xf32>
    tpu.vector_store %arg3[%swap3A, %swap3A_11], %mul3A_10 {strides = array<i32>} : memref<1000x128xf32, #tpu.memory_space<vmem>>, vector<1000x128xf32>,
    return
  }
  func.func @transform_0(%arg0: i32) -> (i32, i32) {
    %c0_i32 = arith.constant 0 : i32
    %c0_i32_0 = arith.constant 0 : i32
    return %arg0, %c0_i32 : i32, i32
  }
  func.func @transform_1(%arg0: i32) -> (i32, i32) {
    %c0_i32 = arith.constant 0 : i32
    %c0_i32_0 = arith.constant 0 : i32
    return %arg0, %c0_i32 : i32, i32
  }
  func.func @transform_2(%arg0: i32) -> (i32, i32) {
    %c0_i32 = arith.constant 0 : i32
    %c0_i32_0 = arith.constant 0 : i32
    return %arg0, %c0_i32 : i32, i32
  }
}

module attributes {stable_mosaic.version = 14 : i64} {
  func.func @_tc_b_body(%arg0: i32, %arg1: memref<2x1000x128xf32, #tpu.memory_space<vmem>>, %arg2: memref<1000x128xf32, #tpu.memory_space<vmem>>, %arg3: memref<1000x2xf32, #tpu.memory_space<vmem>>, %arg4: memref<1x128xf32, #tpu.memory_space<vmem>>, %arg5: memref<128x256xf32, #tpu.memory_space<vmem>>, %arg6: memref<2x1000x128xf32, #tpu.memory_space<vmem>>) attributes {dimension_semantics = [#tpu.dimension_semantics<arbitrary>], iteration_bounds = array<i64: 10>, scalar_prefetch = 0 : i64, scratch_operands = 0 : i64, tpu.core_type = #tpu.core_type<tc>, window_params = [{transform_indices = @transform_0, window_bounds = array<i64: 2, 1000, 128>}, {transform_indices = @transform_1, window_bounds = array<i64: 1000, 128>}, {transform_indices = @transform_2, window_bounds = array<i64: 1000, 2>}, {pipeline_mode = #tpu.pipeline_mode<synchronous>, transform_indices = @transform_3, window_bounds = array<i64: 1, 128>}, {pipeline_mode = #tpu.pipeline_mode<synchronous>, transform_indices = @transform_4, window_bounds = array<i64: 128, 256>}, {transform_indices = @transform_5, window_bounds = array<i64: 2, 1000, 128>}]} {
    %get3A = arith.constant 0 : index
    %get3A_0 = arith.constant 0 : index
    %get3A_1 = vector.load %arg3[%get3A, %get3A_0] : memref<1000x2xf32, #tpu.memory_space<vmem>>, vector<1000x2xf32>
    %slice3A = vector.extract_strided_slice %get3A_1 {offsets = [0, 0], sizes = [1000, 1], strides = [1, 1]} : vector<1000x2xf32> to vector<1000x1xf32>
    %squeeze3A = vector.shape_cast %slice3A : vector<1000x1xf32> to vector<1000xf32>
    %slice3A_2 = vector.extract_strided_slice %get3A_1 {offsets = [0, 1], sizes = [1000, 1], strides = [1, 1]} : vector<1000x2xf32> to vector<1000x1xf32>
    %squeeze3A_3 = vector.shape_cast %slice3A_2 : vector<1000x1xf32> to vector<1000xf32>
    %add3A = arith.addf %squeeze3A, %squeeze3A_3 : vector<1000xf32>
    %add3A_4 = arith.constant 1.000000e+00 : f32
    %add3A_5 = vector.broadcast %add3A_4 : f32 to vector<1000xf32>
    %add3A_6 = arith.addf %add3A, %add3A_5 : vector<1000xf32>
    %rsqrt3A = math.rsqrt %add3A_6 : vector<1000xf32>
    %get3A_7 = arith.constant 0 : index
    %get3A_8 = arith.constant 0 : index
    %get3A_9 = arith.constant 0 : index
    %get3A_10 = vector.load %arg1[%get3A_7, %get3A_8, %get3A_9] : memref<2x1000x128xf32, #tpu.memory_space<vmem>>, vector<1x1000x128xf32>
    %get3A_11 = vector.shape_cast %get3A_10 : vector<1x1000x128xf32> to vector<1000x128xf32>
    %get3A_12 = arith.constant 1 : index
    %get3A_13 = arith.constant 0 : index
    %get3A_14 = arith.constant 0 : index
    %get3A_15 = vector.load %arg1[%get3A_12, %get3A_13, %get3A_14] : memref<2x1000x128xf32, #tpu.memory_space<vmem>>, vector<1x1000x128xf32>
    %get3A_16 = vector.shape_cast %get3A_15 : vector<1x1000x128xf32> to vector<1000x128xf32>
    %add3A_17 = arith.addf %get3A_11, %get3A_16 : vector<1000x128xf32>
    %get3A_18 = arith.constant 0 : index
    %get3A_19 = arith.constant 0 : index
    %get3A_20 = vector.load %arg2[%get3A_18, %get3A_19] : memref<1000x128xf32, #tpu.memory_space<vmem>>, vector<1000x128xf32>
    %sub3A = arith.subf %add3A_17, %get3A_20 : vector<1000x128xf32>
    %broadcast_in_dim3A = vector.shape_cast %rsqrt3A : vector<1000xf32> to vector<1000x1xf32>
    %mul3A = vector.broadcast %broadcast_in_dim3A : vector<1000x1xf32> to vector<1000x128xf32>
    %mul3A_21 = arith.mulf %sub3A, %mul3A : vector<1000x128xf32>
    %get3A_22 = arith.constant 0 : index
    %get3A_23 = arith.constant 0 : index
    %get3A_24 = vector.load %arg4[%get3A_22, %get3A_23] : memref<1x128xf32, #tpu.memory_space<vmem>>, vector<1x128xf32>
    %get3A_25 = vector.shape_cast %get3A_24 : vector<1x128xf32> to vector<128xf32>
    %broadcast_in_dim3A_26 = vector.shape_cast %get3A_25 : vector<128xf32> to vector<1x128xf32>
    %add3A_27 = vector.broadcast %broadcast_in_dim3A_26 : vector<1x128xf32> to vector<1000x128xf32>
    %add3A_28 = arith.addf %mul3A_21, %add3A_27 : vector<1000x128xf32>
    %max3A = arith.constant 0.000000e+00 : f32
    %max3A_29 = vector.broadcast %max3A : f32 to vector<1000x128xf32>
    %max3A_30 = arith.maximumf %add3A_28, %max3A_29 : vector<1000x128xf32>
    %get3A_31 = arith.constant 0 : index
    %get3A_32 = arith.constant 0 : index
    %get3A_33 = vector.load %arg5[%get3A_31, %get3A_32] : memref<128x256xf32, #tpu.memory_space<vmem>>, vector<128x256xf32>
    %dot_general3A = arith.constant dense<0.000000e+00> : vector<1000x256xf32>
    %dot_general3A_34 = tpu.matmul %max3A_30, %get3A_33, %dot_general3A {dimension_numbers = #tpu.dot_dimension_numbers<[1], [0], [0], [1], [0, 0, 1, 1], [], []>, transpose_lhs_hint = false} : vector<1000x128xf32>, vector<128x256xf32>, vector<1000x256xf32> -> vector<1000x256xf32>
    %broadcast_in_dim3A_35 = vector.shape_cast %rsqrt3A : vector<1000xf32> to vector<1000x1xf32>
    %mul3A_36 = vector.broadcast %broadcast_in_dim3A_35 : vector<1000x1xf32> to vector<1000x256xf32>
    %mul3A_37 = arith.mulf %dot_general3A_34, %mul3A_36 : vector<1000x256xf32>
    %slice3A_38 = vector.extract_strided_slice %mul3A_37 {offsets = [0, 0], sizes = [1000, 128], strides = [1, 1]} : vector<1000x256xf32> to vector<1000x128xf32>
    %swap3A = arith.constant 0 : index
    %swap3A_39 = arith.constant 0 : index
    %swap3A_40 = arith.constant 0 : index
    %swap3A_41 = vector.load %arg6[%swap3A, %swap3A_39, %swap3A_40] : memref<2x1000x128xf32, #tpu.memory_space<vmem>>, vector<1x1000x128xf32>
    %swap3A_42 = vector.shape_cast %swap3A_41 : vector<1x1000x128xf32> to vector<1000x128xf32>
    %swap3A_43 = vector.shape_cast %slice3A_38 : vector<1000x128xf32> to vector<1x1000x128xf32>
    tpu.vector_store %arg6[%swap3A, %swap3A_39, %swap3A_40], %swap3A_43 {strides = array<i32>} : memref<2x1000x128xf32, #tpu.memory_space<vmem>>, vector<1x1000x128xf32>,
    %slice3A_44 = vector.extract_strided_slice %mul3A_37 {offsets = [0, 128], sizes = [1000, 128], strides = [1, 1]} : vector<1000x256xf32> to vector<1000x128xf32>
    %swap3A_45 = arith.constant 1 : index
    %swap3A_46 = arith.constant 0 : index
    %swap3A_47 = arith.constant 0 : index
    %swap3A_48 = vector.load %arg6[%swap3A_45, %swap3A_46, %swap3A_47] : memref<2x1000x128xf32, #tpu.memory_space<vmem>>, vector<1x1000x128xf32>
    %swap3A_49 = vector.shape_cast %swap3A_48 : vector<1x1000x128xf32> to vector<1000x128xf32>
    %swap3A_50 = vector.shape_cast %slice3A_44 : vector<1000x128xf32> to vector<1x1000x128xf32>
    tpu.vector_store %arg6[%swap3A_45, %swap3A_46, %swap3A_47], %swap3A_50 {strides = array<i32>} : memref<2x1000x128xf32, #tpu.memory_space<vmem>>, vector<1x1000x128xf32>,
    return
  }
  func.func @transform_0(%arg0: i32) -> (i32, i32, i32) {
    %c0_i32 = arith.constant 0 : i32
    %c0_i32_0 = arith.constant 0 : i32
    %c0_i32_1 = arith.constant 0 : i32
    return %c0_i32, %arg0, %c0_i32_0 : i32, i32, i32
  }
  func.func @transform_1(%arg0: i32) -> (i32, i32) {
    %c0_i32 = arith.constant 0 : i32
    %c0_i32_0 = arith.constant 0 : i32
    return %arg0, %c0_i32 : i32, i32
  }
  func.func @transform_2(%arg0: i32) -> (i32, i32) {
    %c0_i32 = arith.constant 0 : i32
    %c0_i32_0 = arith.constant 0 : i32
    return %arg0, %c0_i32 : i32, i32
  }
  func.func @transform_3(%arg0: i32) -> (i32, i32) {
    %c0_i32 = arith.constant 0 : i32
    %c0_i32_0 = arith.constant 0 : i32
    %c0_i32_1 = arith.constant 0 : i32
    return %c0_i32, %c0_i32_0 : i32, i32
  }
  func.func @transform_4(%arg0: i32) -> (i32, i32) {
    %c0_i32 = arith.constant 0 : i32
    %c0_i32_0 = arith.constant 0 : i32
    %c0_i32_1 = arith.constant 0 : i32
    return %c0_i32, %c0_i32_0 : i32, i32
  }
  func.func @transform_5(%arg0: i32) -> (i32, i32, i32) {
    %c0_i32 = arith.constant 0 : i32
    %c0_i32_0 = arith.constant 0 : i32
    %c0_i32_1 = arith.constant 0 : i32
    return %c0_i32, %arg0, %c0_i32_0 : i32, i32, i32
  }
}

module attributes {stable_mosaic.version = 14 : i64} {
  func.func @_tc_c_body(%arg0: i32, %arg1: memref<2x1000x128xf32, #tpu.memory_space<vmem>>, %arg2: memref<1000x2xf32, #tpu.memory_space<vmem>>, %arg3: memref<1x256xf32, #tpu.memory_space<vmem>>, %arg4: memref<1000x256xf32, #tpu.memory_space<vmem>>) attributes {dimension_semantics = [#tpu.dimension_semantics<arbitrary>], iteration_bounds = array<i64: 10>, scalar_prefetch = 0 : i64, scratch_operands = 0 : i64, tpu.core_type = #tpu.core_type<tc>, window_params = [{transform_indices = @transform_0, window_bounds = array<i64: 2, 1000, 128>}, {transform_indices = @transform_1, window_bounds = array<i64: 1000, 2>}, {pipeline_mode = #tpu.pipeline_mode<synchronous>, transform_indices = @transform_2, window_bounds = array<i64: 1, 256>}, {transform_indices = @transform_3, window_bounds = array<i64: 1000, 256>}]} {
    %get3A = arith.constant 0 : index
    %get3A_0 = arith.constant 0 : index
    %get3A_1 = vector.load %arg2[%get3A, %get3A_0] : memref<1000x2xf32, #tpu.memory_space<vmem>>, vector<1000x2xf32>
    %slice3A = vector.extract_strided_slice %get3A_1 {offsets = [0, 0], sizes = [1000, 1], strides = [1, 1]} : vector<1000x2xf32> to vector<1000x1xf32>
    %squeeze3A = vector.shape_cast %slice3A : vector<1000x1xf32> to vector<1000xf32>
    %slice3A_2 = vector.extract_strided_slice %get3A_1 {offsets = [0, 1], sizes = [1000, 1], strides = [1, 1]} : vector<1000x2xf32> to vector<1000x1xf32>
    %squeeze3A_3 = vector.shape_cast %slice3A_2 : vector<1000x1xf32> to vector<1000xf32>
    %add3A = arith.addf %squeeze3A, %squeeze3A_3 : vector<1000xf32>
    %add3A_4 = arith.constant 1.000000e+00 : f32
    %add3A_5 = vector.broadcast %add3A_4 : f32 to vector<1000xf32>
    %add3A_6 = arith.addf %add3A, %add3A_5 : vector<1000xf32>
    %rsqrt3A = math.rsqrt %add3A_6 : vector<1000xf32>
    %get3A_7 = arith.constant 0 : index
    %get3A_8 = arith.constant 0 : index
    %get3A_9 = arith.constant 0 : index
    %get3A_10 = vector.load %arg1[%get3A_7, %get3A_8, %get3A_9] : memref<2x1000x128xf32, #tpu.memory_space<vmem>>, vector<1x1000x128xf32>
    %get3A_11 = vector.shape_cast %get3A_10 : vector<1x1000x128xf32> to vector<1000x128xf32>
    %get3A_12 = arith.constant 1 : index
    %get3A_13 = arith.constant 0 : index
    %get3A_14 = arith.constant 0 : index
    %get3A_15 = vector.load %arg1[%get3A_12, %get3A_13, %get3A_14] : memref<2x1000x128xf32, #tpu.memory_space<vmem>>, vector<1x1000x128xf32>
    %get3A_16 = vector.shape_cast %get3A_15 : vector<1x1000x128xf32> to vector<1000x128xf32>
    %concatenate3A = tpu.concatenate %get3A_11, %get3A_16 in 1 : vector<1000x128xf32>, vector<1000x128xf32> -> vector<1000x256xf32>
    %broadcast_in_dim3A = vector.shape_cast %rsqrt3A : vector<1000xf32> to vector<1000x1xf32>
    %mul3A = vector.broadcast %broadcast_in_dim3A : vector<1000x1xf32> to vector<1000x256xf32>
    %mul3A_17 = arith.mulf %concatenate3A, %mul3A : vector<1000x256xf32>
    %get3A_18 = arith.constant 0 : index
    %get3A_19 = arith.constant 0 : index
    %get3A_20 = vector.load %arg3[%get3A_18, %get3A_19] : memref<1x256xf32, #tpu.memory_space<vmem>>, vector<1x256xf32>
    %get3A_21 = vector.shape_cast %get3A_20 : vector<1x256xf32> to vector<256xf32>
    %broadcast_in_dim3A_22 = vector.shape_cast %get3A_21 : vector<256xf32> to vector<1x256xf32>
    %add3A_23 = vector.broadcast %broadcast_in_dim3A_22 : vector<1x256xf32> to vector<1000x256xf32>
    %add3A_24 = arith.addf %mul3A_17, %add3A_23 : vector<1000x256xf32>
    %swap3A = arith.constant 0 : index
    %swap3A_25 = arith.constant 0 : index
    %swap3A_26 = vector.load %arg4[%swap3A, %swap3A_25] : memref<1000x256xf32, #tpu.memory_space<vmem>>, vector<1000x256xf32>
    tpu.vector_store %arg4[%swap3A, %swap3A_25], %add3A_24 {strides = array<i32>} : memref<1000x256xf32, #tpu.memory_space<vmem>>, vector<1000x256xf32>,
    return
  }
  func.func @transform_0(%arg0: i32) -> (i32, i32, i32) {
    %c0_i32 = arith.constant 0 : i32
    %c0_i32_0 = arith.constant 0 : i32
    %c0_i32_1 = arith.constant 0 : i32
    return %c0_i32, %arg0, %c0_i32_0 : i32, i32, i32
  }
  func.func @transform_1(%arg0: i32) -> (i32, i32) {
    %c0_i32 = arith.constant 0 : i32
    %c0_i32_0 = arith.constant 0 : i32
    return %arg0, %c0_i32 : i32, i32
  }
  func.func @transform_2(%arg0: i32) -> (i32, i32) {
    %c0_i32 = arith.constant 0 : i32
    %c0_i32_0 = arith.constant 0 : i32
    %c0_i32_1 = arith.constant 0 : i32
    return %c0_i32, %c0_i32_0 : i32, i32
  }
  func.func @transform_3(%arg0: i32) -> (i32, i32) {
    %c0_i32 = arith.constant 0 : i32
    %c0_i32_0 = arith.constant 0 : i32
    return %arg0, %c0_i32 : i32, i32
  }
}

</mosaic_0001>

<sc_bundles>
// kernel: kernel.12.cloned.1.call-start
scs
__scs_entry_jumppad:
0x0: {  	(pc) =	sbr.rel $0x88, $3  }
0x1: {  	(tag) =	ssettag $0x0;
	lr =	simm.s32 $0x1  }
0x2: {  	[smem:$0x3F9B] =	sst lr;
	_ =	strace $0xD0000000  }
0x3: {  	_ = 	snop  }
0x4: {  	_ = 	snop  }
0x5: {  	_ = 	snop  }
0x6: {  	_ = 	snop  }
0x7: {  	_ = 	snop  }
__scs_overlays_trampoline_lowered:
0x8: {  	[smem:$0x3FAA] =	sst s0  }
0x9: {  	[smem:$0x3FAB] =	sst s1  }
0xa: {  	[smem:$0x3FAC] =	sst s2  }
0xb: {  	[smem:$0x3FAD] =	sst s3  }
0xc: {  	[smem:$0x3FAE] =	sst s4  }
0xd: {  	[smem:$0x3FAF] =	sst s5  }
0xe: {  	[smem:$0x3FB0] =	sst s6  }
0xf: {  	[smem:$0x3FB1] =	sst s7  }
0x10: {  	[smem:$0x3FB2] =	sst s8  }
0x11: {  	[smem:$0x3FB3] =	sst s9;
	s0 =	simm.s32 @!p0 $0x0  }
0x12: {  	s1 =	sld [smem:$0x3F99];
	s0 =	simm.s32 @p0 $0x1  }
0x13: {  	[smem:$0x3FB4] =	sst s0;
	s0 =	simm.s32 @!p1 $0x0  }
0x14: {  	s2 =	sld [smem:$0x3F98];
	s0 =	simm.s32 @p1 $0x1  }
0x15: {  	[smem:$0x3FB5] =	sst s0;
	s0 =	simm.s32 @!p2 $0x0  }
0x16: {  	s3 =	sld [smem:$0x3FDB];
	s0 =	simm.s32 @p2 $0x1  }
0x17: {  	s4 =	simm.s32 $0x1BF5;
	[smem:$0x3FB7] =	sst s0  }
0x18: {  	s0 =	sld [smem:$0x3F9A];
	_ =	swait.ge [sflag:s4], $0x0  }
0x19: {  	s7 =	sld [smem:$0x3F9B]  }
0x1a: {  	s8 =	sadd.s32 $0xFFFFE003, lr  }
0x1b: {  	s9 =	sadd.s32 $0xFFFFFEF7, lr;
	s5 =	simm.s32 $0xFFFFFFFF;
	p2 =	slt.u32 s8, $0xFFFFF086  }
0x1c: {  	p1 =	slt.u32 s9, $0xF7A;
	s5 =	simm.s32 @!p2 $0x0  }
0x1d: {  	s5 =	simm.s32 @p1 $0x1;
	p0 =	seq.s32 s7, s2  }
0x1e: {  	s7 =	smul.u32 @!p0 $0xF7A, s2;
	p2 =	seq.s32 @!p0 s5, $0x0  }
0x1f: {  	s9 =	smul.u32 $0xF7A, s1;
	s8 =	simm.s32 @!p0 $0x1BF5;
	p2 =	por !p2, p0  }
0x20: {  	[sflag:s8] =	ssyncset.s32 @!p0 $0xFFFFF086;
	s6 =	sadd.s32 @!p0 s3, s7;
	s7 =	simm.s32 @!p0 $0x108  }
0x21: {  	s3 =	sadd.s32 s3, s9;
	s6 =	sadd.s32 @!p0 $0x88, s6;
	s7 =	simm.s32 @p2 $0x1082  }
0x22: {  	[simem:s7], [sflag:s8] =	dma.local @!p0 [hbm:s6], $0xF7A  }
0x23: {  	s9 =	sor.u32 $0xD0000000, s2;
	s6 =	simm.s32 $0x108;
	_ =	swait.ge @!p0 [sflag:s8], $0x0  }
0x24: {  	s3 =	sadd.s32 $0x88, s3;
	s6 =	simm.s32 @!p1 $0x1082;
	[sflag:s4] =	ssyncset.s32 $0xFFFFF086  }
0x25: {  	[simem:s6], [sflag:s4] =	dma.local [hbm:s3], $0xF7A  }
0x26: {  	[smem:$0x3F9B] =	sst s1;
	(tag) =	ssettag s2;
	_ =	strace s9  }
0x27: {  	s1 =	sld [smem:$0x3FAB]  }
0x28: {  	s2 =	sld [smem:$0x3FAC]  }
0x29: {  	s4 =	sld [smem:$0x3FAE]  }
0x2a: {  	p0 =	seq.s32 s5, $0x0;
	s5 =	sld [smem:$0x3FAF]  }
0x2b: {  	s6 =	sld [smem:$0x3FB0]  }
0x2c: {  	s7 =	sld [smem:$0x3FB1]  }
0x2d: {  	s3 =	simm.s32 $0x108;
	s8 =	sld [smem:$0x3FB2]  }
0x2e: {  	s3 =	simm.s32 @!p0 $0x1082;
	s9 =	sld [smem:$0x3FB3]  }
0x2f: {  	lr =	sadd.s32 s0, s3;
	s0 =	sld [smem:$0x3FAA]  }
0x30: {  	s3 =	sld [smem:$0x3FAD]  }
0x31: {  	[smem:$0x3FB6] =	sst s10  }
0x32: {  	s10 =	sld [smem:$0x3FB4];
	_ =	sdelay $0x3  }
0x33: {  	p0 =	seq.s32 s10, $0x1;
	s10 =	sld [smem:$0x3FB6];
	_ =	sdelay $0x3  }
0x34: {  	[smem:$0x3FB6] =	sst s10  }
0x35: {  	s10 =	sld [smem:$0x3FB5];
	_ =	sdelay $0x3  }
0x36: {  	p1 =	seq.s32 s10, $0x1;
	s10 =	sld [smem:$0x3FB6];
	_ =	sdelay $0x3  }
0x37: {  	[smem:$0x3FB6] =	sst s10  }
0x38: {  	s10 =	sld [smem:$0x3FB7]  }
0x39: {  	_ = 	snop;
	(pc) =	sbr.ind lr, $3  }
0x3a: {  	_ = 	snop  }
0x3b: {  	_ = 	snop  }
0x3c: {  	p2 =	seq.s32 s10, $0x1;
	s10 =	sld [smem:$0x3FB6]  }
0x3d: {  	_ =	shalt  }
0x3e: {  	_ =	shalt  }
0x3f: {  	_ =	shalt  }
0x40: {  	_ =	shalt  }
0x41: {  	_ =	shalt  }
0x42: {  	_ =	shalt  }
0x43: {  	_ =	shalt  }
0x44: {  	_ =	shalt  }
0x45: {  	_ =	shalt  }
0x46: {  	_ =	shalt  }
0x47: {  	_ =	shalt  }
0x48: {  	_ =	shalt  }
0x49: {  	_ =	shalt  }
0x4a: {  	_ =	shalt  }
0x4b: {  	_ =	shalt  }
0x4c: {  	_ =	shalt  }
0x4d: {  	_ =	shalt  }
0x4e: {  	_ =	shalt  }
0x4f: {  	_ =	shalt  }
0x50: {  	_ =	shalt  }
0x51: {  	_ =	shalt  }
0x52: {  	_ =	shalt  }
0x53: {  	_ =	shalt  }
0x54: {  	_ =	shalt  }
0x55: {  	_ =	shalt  }
0x56: {  	_ =	shalt  }
0x57: {  	_ =	shalt  }
0x58: {  	_ =	shalt  }
0x59: {  	_ =	shalt  }
0x5a: {  	_ =	shalt  }
0x5b: {  	_ =	shalt  }
0x5c: {  	_ =	shalt  }
0x5d: {  	_ =	shalt  }
0x5e: {  	_ =	shalt  }
0x5f: {  	_ =	shalt  }
0x60: {  	_ =	shalt  }
0x61: {  	_ =	shalt  }
0x62: {  	_ =	shalt  }
0x63: {  	_ =	shalt  }
0x64: {  	_ =	shalt  }
0x65: {  	_ =	shalt  }
0x66: {  	_ =	shalt  }
0x67: {  	_ =	shalt  }
0x68: {  	_ =	shalt  }
0x69: {  	_ =	shalt  }
0x6a: {  	_ =	shalt  }
0x6b: {  	_ =	shalt  }
0x6c: {  	_ =	shalt  }
0x6d: {  	_ =	shalt  }
0x6e: {  	_ =	shalt  }
0x6f: {  	_ =	shalt  }
0x70: {  	_ =	shalt  }
0x71: {  	_ =	shalt  }
0x72: {  	_ =	shalt  }
0x73: {  	_ =	shalt  }
0x74: {  	_ =	shalt  }
0x75: {  	_ =	shalt  }
0x76: {  	_ =	shalt  }
0x77: {  	_ =	shalt  }
0x78: {  	_ =	shalt  }
0x79: {  	_ =	shalt  }
0x7a: {  	_ =	shalt  }
0x7b: {  	_ =	shalt  }
0x7c: {  	_ =	shalt  }
0x7d: {  	_ =	shalt  }
0x7e: {  	_ =	shalt  }
0x7f: {  	_ =	shalt  }
0x80: {  	_ =	shalt  }
0x81: {  	_ =	shalt  }
0x82: {  	_ =	shalt  }
0x83: {  	_ =	shalt  }
0x84: {  	_ =	shalt  }
0x85: {  	_ =	shalt  }
0x86: {  	_ =	shalt  }
0x87: {  	_ =	shalt  }
.Lfunc_end0:
.L_simem_size_0:
called_computation.1_lowered:
.L_overlay_start_0:
0x88: {  	s2 =	sld [smem:$0x3FD9]  }
0x89: {  	s3 =	sld [smem:$0x3FFE];
	_ =	sdelay $0x1  }
0x8a: {  	s1 =	srdreg.scid  }
0x8b: {  	s0 =	sand.u32 $0x1, s1  }
0x8c: {  	s17 =	sshll.u32 s0, $0xA;
	s2 =	sadd.s32 s3, s2  }
0x8d: {  	s2 =	sadd.s32 s2, s17  }
0x8e: {  	[smem:$0x3FC2] =	sst s2  }
0x8f: {  	_ = 	snop  }
0x90: {  	s2 =	sld [smem:$0x3FD0];
	(tm) =	ssettm $0x1  }
0x91: {  	s18 =	sld [smem:$0x3FFB];
	_ =	sdelay $0x3  }
0x92: {  	_ =	strace s18  }
0x93: {  	s3 =	sld [smem:$0x3FFC];
	_ =	sdelay $0x3  }
0x94: {  	_ =	strace s3  }
0x95: {  	s3 =	sld [smem:$0x3FFD];
	_ =	sdelay $0x3  }
0x96: {  	_ =	strace s3  }
0x97: {  	_ =	strace $0x8FFFFFFF  }
0x98: {  	s19 =	sld [smem:$0x3FDB];
	_ =	sdelay $0x1  }
0x99: {  	s4 =	simm.s32 $_scs_section_size  }
0x9a: {  	s5 =	simm.s32 $_size__tile_overlayer_lowered;
	s6 =	simm.s32 $_tile_overlayer_lowered  }
0x9b: {  	s22 =	simm.s32 $0x1BFF;
	s21 =	sshll.u32 s6, $0x1;
	s3 =	sadd.s32 s4, s19  }
0x9c: {  	s7 =	simm.s32 $0x0;
	s20 =	sshll.u32 s5, $0x1;
	s5 =	sadd.s32 s21, s3  }
0x9d: {  	[timem:s7], [sflag:s22] =	dma.local [hbm:s5], s20  }
0x9e: {  	_ =	swait.ge [sflag:s22], s20  }
0x9f: {  	s4 =	ssub.s32 $0x0, s20;
	[sflag:s22] =	ssyncset.done $0x0  }
0xa0: {  	[sflag:s22] =	ssyncadd.s32 s4;
	_ =	sdelay $0x1  }
0xa1: {  	s23 =	simm.s32 $0x1B8B  }
0xa2: {  	_ =	swait.ge [sflag:s23], $0x1  }
0xa3: {  	[sflag:s23] =	ssyncset.done $0x0  }
0xa4: {  	s25 =	simm.s32 $0x1B8E;
	s24 =	sld [smem:$0x3FFE];
	[sflag:s23] =	ssyncadd.s32 $0xFFFFFFFF  }
0xa5: {  	s26 =	simm.s32 $execute0_lowered;
	[smem:$0x3FD2] =	sst s25  }
0xa6: {  	s5 =	sshll.u32 s26, $0x1;
	_ =	strace $0x80000049;
	[dreg:$0x1] =	wrdreg $0xFFFFFFFF  }
0xa7: {  	s28 =	simm.s32 $_size_execute0_lowered;
	s3 =	sadd.s32 s3, s5;
	[dreg:$0x0] =	wrdreg $0x0  }
0xa8: {  	s5 =	sshll.u32 s28, $0x1;
	[dreg:$0x2] =	wrdreg s3  }
0xa9: {  	[dreg:$0x3] =	wrdreg s5  }
0xaa: {  	[dreg:$0x4] =	wrdreg $0xC0  }
0xab: {  	_ =	task [dreg:s7], $0x5FFFF  }
0xac: {  	[dreg:$0x1] =	wrdreg $0xFFFFFFFF  }
0xad: {  	[dreg:$0x0] =	wrdreg $0x60  }
0xae: {  	[dreg:$0x2] =	wrdreg s24  }
0xaf: {  	[dreg:$0x3] =	wrdreg s2  }
0xb0: {  	[dreg:$0x4] =	wrdreg $0x0  }
0xb1: {  	[dreg:$0x5] =	wrdreg $0x9  }
0xb2: {  	_ =	task.clear_ibuf [dreg:s7], $0x6FFFF;
	_ =	strace $0x90000049  }
0xb3: {  	s29 =	simm.s32 $0x9;
	_ =	strace $0x8000004B  }
0xb4: {  	_ =	swait.ge [sflag:s29], $0x1  }
0xb5: {  	[sflag:s29] =	ssyncadd.s32 $0xFFFFFFFF  }
0xb6: {  	_ =	strace $0x9000004B  }
0xb7: {  	_ =	sfence  }
0xb8: {  	s30 =	sld [smem:$0x0];
	_ =	sdelay $0x2  }
0xb9: {  	s31 =	sshll.u32 s1, $0xD;
	s1 =	sshrl.u32 s1, $0x2  }
0xba: {  	s3 =	sand.u32 $0x4000, s31;
	s1 =	sadd.s32 s1, s30  }
0xbb: {  	s0 =	sor.u32 s3, s0;
	s1 =	sshll.u32 s1, $0x11  }
0xbc: {  	s0 =	sor.u32 s1, s0  }
0xbd: {  	s0 =	sadd.s32 $0x8F2B, s0  }
0xbe: {  	[sflag:s0] =	ssyncadd.remote.s32 $0x1  }
0xbf: {  	_ =	sfence.sel $0xFFFF  }
0xc0: {  	[dreg:$0x0] =	wrdreg $0xFFFFFFFF;
	(pc) =	sbr.abs _section_cstart, $3  }
0xc1: {  	[dreg:$0x1] =	wrdreg $0xFFFFFFFF  }
0xc2: {  	_ =	task.clear_ibuf [dreg:s7], $0x2FFFF;
	_ =	strace $0x9FFFFFFF  }
0xc3: {  	(tm) =	ssettm $0x7FFFFFFF  }
tec
execute0_lowered:
.L_overlay_start_1:
0x0: {  	(tag) =	ssettag $0x1  }
0x1: {  	s0 =	srdreg.scid  }
0x2: {  	s12 =	stileid.u32;
	s6 =	rddreg [dreg:$0x0]  }
0x3: {  	s9 =	rddreg [dreg:$0x1];
	s22 =	simm.s32 $0x0;
	s17 =	simm.s32 $0x32  }
0x4: {  	s18 =	simm.s32 $0x16440;
	s20 =	simm.s32 $0x17D40;
	s28 =	simm.s32 $0x2  }
0x5: {  	s29 =	simm.s32 $0x6;
	s30 =	simm.s32 $0x3;
	s2 =	smul.u32 $0x1388, s12  }
0x6: {  	s31 =	simm.s32 $0x7;
	s21 =	simm.s32 $0x0;
	s8 =	smul.u32 $0x13800, s12  }
0x7: {  	s0 =	sand.u32 $0x1, s0;
	[smem:$0x7FF] =	sst s22;
	s13 =	smul.u32 $0x2700, s12  }
0x8: {  	s24 =	sshll.u32 s12, $0x6;
	p0 =	sne.s32 s12, $0x0;
	s1 =	smul.u32 $0x13880, s0  }
0x9: {  	s22 =	simm.s32 $0x19640;
	s5 =	ssub.s32 $0x2, s0;
	s25 =	smul.u32 $0x138800, s0  }
0xa: {  	s0 =	smul.u32 $0x27100, s0;
	s7 =	sshrl.u32 s5, $0x1;
	s23 =	sshrl.u32 s8, $0x3  }
0xb: {  	s2 =	sadd.s32 s2, s1;
	s1 =	rddreg [dreg:$0x2];
	_ =	strace $0x8000004A  }
0xc: {  	s11 =	ssub.s32 s5, s7;
	s5 =	sor.u32 $0x1C09, s24;
	s16 =	sshrl.u32 s25, $0x3  }
0xd: {  	s0 =	sadd.s32 s13, s0;
	s13 =	simm.s32 $0x9;
	s24 =	simm.s32 $0x1AF40  }
0xe: {  	s25 =	simm.s32 $0x1;
	s3 =	smulhi.u32 $0x51EB852, s2;
	s14 =	sadd.s32 s8, s1  }
0xf: {  	s15 =	sadd.s32 $0x138000, s1;
	s26 =	sadd.s32 s9, s16;
	s9 =	sadd.s32 s9, s0  }
0x10: {  	s11 =	smax.u32 s11, $0x1;
	s0 =	simm.s32 $0x4;
	s4 =	smul.u32 $0x7, s3  }
0x11: {  	s16 =	simm.s32 $0x8;
	s12 =	sshrl.u32 s14, $0x3;
	s14 =	sshrl.u32 @!p0 s15, $0x3  }
0x12: {  	s15 =	simm.s32 $0x13880;
	s3 =	sadd.s32 $0xEE00, s6;
	s10 =	sadd.s32 s4, s6  }
0x13: {  	s4 =	sadd.s32 s3, s23;
	s6 =	sadd.s32 $0x35E00, s6;
	s7 =	sadd.s32 $0x3E00, s10  }
0x14: {  	s8 =	sadd.s32 $0x9600, s10;
	s10 =	sadd.s32 $0x27000, s26;
	s26 =	simm.s32 $0x5  }
.LBB2_1:
0x15: {  	[spmem:s12], [sflag:s5] =	dma.local [hbm:s4], $0x2700  }
0x16: {  	_ =	swait.ge [sflag:s13], $0x2700  }
0x17: {  	[sflag:s13] =	ssyncset.done $0x0  }
0x18: {  	s19 =	simm.s32 @!p0 $0x9;
	[sflag:s13] =	ssyncadd.s32 $0xFFFFD900  }
0x19: {  	[spmem:s14], [sflag:s5] =	dma.local @!p0 [hbm:s6], $0x100  }
0x1a: {  	_ =	swait.ge @!p0 [sflag:s19], $0x100  }
0x1b: {  	[sflag:s19] =	ssyncset.done @!p0 $0x0  }
0x1c: {  	s2 =	simm.s32 $0x0;
	[sflag:s19] =	ssyncadd.s32 @!p0 $0xFFFFFF00  }
0x1d: {  	[tilespmem:s15], [sflag:$0x9] =	stream.linear.gather [hbm4b:s7+s2], $0x15E0, $0x38;
	[tilespmem:$0x1C840] =	vst v63  }
0x1e: {  	_ =	swait.ge [sflag:s13], $0x15E0  }
0x1f: {  	[sflag:s13] =	ssyncset.done $0x0  }
0x20: {  	s23 =	simm.s32 $0x14E60;
	[sflag:s13] =	ssyncadd.s32 $0xFFFFEA20  }
0x21: {  	[tilespmem:s23], [sflag:$0x9] =	stream.linear.gather [hbm4b:s8+s2], $0x15E0, $0x38;
	[tilespmem:$0x1C840] =	vst v63  }
0x22: {  	_ =	swait.ge [sflag:s13], $0x15E0  }
0x23: {  	[sflag:s13] =	ssyncset.done $0x0  }
0x24: {  	[sflag:s13] =	ssyncadd.s32 $0xFFFFEA20  }
0x25: {  	[bflag:$0x0] =	sbarrier.arrive $0xFFFF  }
0x26: {  	[tilespmem:s18], [sflag:$0x1] =	stream.indirect.gather [hbm4b:s3+s17], $0x80, s15, s17, $0xb8;
	[tilespmem:$0x1C840] =	vst v63  }
0x27: {  	s19 =	simm.s32 $0x138B8  }
0x28: {  	[tilespmem:s20], [sflag:$0x2] =	stream.indirect.gather [hbm4b:s3+s17], $0x80, s19, s17, $0xb8;
	[tilespmem:$0x1C840] =	vst v63  }
0x29: {  	s23 =	simm.s32 $0x138F0  }
0x2a: {  	[tilespmem:s22], [sflag:$0x3] =	stream.indirect.gather [hbm4b:s3+s17], $0x80, s23, s17, $0xb8;
	[tilespmem:$0x1C840] =	vst v63  }
0x2b: {  	s19 =	simm.s32 $0x13928  }
0x2c: {  	[tilespmem:s24], [sflag:$0x4] =	stream.indirect.gather [hbm4b:s3+s17], $0x80, s19, s17, $0xb8;
	[tilespmem:$0x1C840] =	vst v63  }
0x2d: {  	_ =	swait.ge [sflag:s25], $0x1900  }
0x2e: {  	[sflag:s25] =	ssyncset.done $0x0  }
0x2f: {  	s23 =	simm.s32 $0x14E60;
	[sflag:s25] =	ssyncadd.s32 $0xFFFFE700  }
0x30: {  	[spmem:s1] =	stream.indirect.scatter.add.f32 [tilespmem:s18], [sflag:$0x5], $0x80, s23, s17, $0xb8;
	[tilespmem:$0x1C840] =	vst v63  }
0x31: {  	_ =	swait.ge [sflag:s26], $0x1900  }
0x32: {  	[sflag:s26] =	ssyncset.done $0x0  }
0x33: {  	s2 =	simm.s32 $0x13960;
	[sflag:s26] =	ssyncadd.s32 $0xFFFFE700  }
0x34: {  	[tilespmem:s18], [sflag:$0x1] =	stream.indirect.gather [hbm4b:s3+s17], $0x80, s2, s17, $0xb8;
	[tilespmem:$0x1C840] =	vst v63  }
0x35: {  	_ =	swait.ge [sflag:s28], $0x1900  }
0x36: {  	[sflag:s28] =	ssyncset.done $0x0  }
0x37: {  	s23 =	simm.s32 $0x14E98;
	[sflag:s28] =	ssyncadd.s32 $0xFFFFE700  }
0x38: {  	[spmem:s1] =	stream.indirect.scatter.add.f32 [tilespmem:s20], [sflag:$0x6], $0x80, s23, s17, $0xb8;
	[tilespmem:$0x1C840] =	vst v63  }
0x39: {  	_ =	swait.ge [sflag:s29], $0x1900  }
0x3a: {  	[sflag:s29] =	ssyncset.done $0x0  }
0x3b: {  	s2 =	simm.s32 $0x13998;
	[sflag:s29] =	ssyncadd.s32 $0xFFFFE700  }
0x3c: {  	[tilespmem:s20], [sflag:$0x2] =	stream.indirect.gather [hbm4b:s3+s17], $0x80, s2, s17, $0xb8;
	[tilespmem:$0x1C840] =	vst v63  }
0x3d: {  	_ =	swait.ge [sflag:s30], $0x1900  }
0x3e: {  	[sflag:s30] =	ssyncset.done $0x0  }
0x3f: {  	s23 =	simm.s32 $0x14ED0;
	[sflag:s30] =	ssyncadd.s32 $0xFFFFE700  }
0x40: {  	[spmem:s1] =	stream.indirect.scatter.add.f32 [tilespmem:s22], [sflag:$0x7], $0x80, s23, s17, $0xb8;
	[tilespmem:$0x1C840] =	vst v63  }
0x41: {  	_ =	swait.ge [sflag:s31], $0x1900  }
0x42: {  	[sflag:s31] =	ssyncset.done $0x0  }
0x43: {  	s2 =	simm.s32 $0x139D0;
	[sflag:s31] =	ssyncadd.s32 $0xFFFFE700  }
0x44: {  	[tilespmem:s22], [sflag:$0x3] =	stream.indirect.gather [hbm4b:s3+s17], $0x80, s2, s17, $0xb8;
	[tilespmem:$0x1C840] =	vst v63  }
0x45: {  	_ =	swait.ge [sflag:s0], $0x1900  }
0x46: {  	[sflag:s0] =	ssyncset.done $0x0  }
0x47: {  	s23 =	simm.s32 $0x14F08;
	[sflag:s0] =	ssyncadd.s32 $0xFFFFE700  }
0x48: {  	[spmem:s1] =	stream.indirect.scatter.add.f32 [tilespmem:s24], [sflag:$0x8], $0x80, s23, s17, $0xb8;
	[tilespmem:$0x1C840] =	vst v63  }
0x49: {  	_ =	swait.ge [sflag:s16], $0x1900  }
0x4a: {  	[sflag:s16] =	ssyncset.done $0x0  }
0x4b: {  	s19 =	simm.s32 $0x13A08;
	s23 =	simm.s32 $0x380;
	[sflag:s16] =	ssyncadd.s32 $0xFFFFE700  }
.LBB2_2:
0x4c: {  	[tilespmem:s24], [sflag:$0x4] =	stream.indirect.gather [hbm4b:s3+s17], $0x80, s19, s17, $0xb8;
	[tilespmem:$0x1C840] =	vst v63  }
0x4d: {  	s19 =	smov.u32 s23  }
0x4e: {  	p1 =	sne.s32 s23, $0x5080;
	s23 =	sadd.s32 $0x380, s23;
	_ =	swait.ge [sflag:s25], $0x1900  }
0x4f: {  	s19 =	sshra.s32 s19, $0x2;
	[sflag:s25] =	ssyncset.done $0x0  }
0x50: {  	s2 =	sadd.s32 $0x14E60, s19;
	[sflag:s25] =	ssyncadd.s32 $0xFFFFE700  }
0x51: {  	[spmem:s1] =	stream.indirect.scatter.add.f32 [tilespmem:s18], [sflag:$0x5], $0x80, s2, s17, $0xb8;
	[tilespmem:$0x1C840] =	vst v63  }
0x52: {  	_ =	swait.ge [sflag:s26], $0x1900  }
0x53: {  	[sflag:s26] =	ssyncset.done $0x0  }
0x54: {  	s2 =	sadd.s32 $0x13960, s19;
	[sflag:s26] =	ssyncadd.s32 $0xFFFFE700  }
0x55: {  	[tilespmem:s18], [sflag:$0x1] =	stream.indirect.gather [hbm4b:s3+s17], $0x80, s2, s17, $0xb8;
	[tilespmem:$0x1C840] =	vst v63  }
0x56: {  	_ =	swait.ge [sflag:s28], $0x1900  }
0x57: {  	[sflag:s28] =	ssyncset.done $0x0  }
0x58: {  	s2 =	sadd.s32 $0x14E98, s19;
	[sflag:s28] =	ssyncadd.s32 $0xFFFFE700  }
0x59: {  	[spmem:s1] =	stream.indirect.scatter.add.f32 [tilespmem:s20], [sflag:$0x6], $0x80, s2, s17, $0xb8;
	[tilespmem:$0x1C840] =	vst v63  }
0x5a: {  	_ =	swait.ge [sflag:s29], $0x1900  }
0x5b: {  	[sflag:s29] =	ssyncset.done $0x0  }
0x5c: {  	s2 =	sadd.s32 $0x13998, s19;
	[sflag:s29] =	ssyncadd.s32 $0xFFFFE700  }
0x5d: {  	[tilespmem:s20], [sflag:$0x2] =	stream.indirect.gather [hbm4b:s3+s17], $0x80, s2, s17, $0xb8;
	[tilespmem:$0x1C840] =	vst v63  }
0x5e: {  	_ =	swait.ge [sflag:s30], $0x1900  }
0x5f: {  	[sflag:s30] =	ssyncset.done $0x0  }
0x60: {  	s2 =	sadd.s32 $0x14ED0, s19;
	[sflag:s30] =	ssyncadd.s32 $0xFFFFE700  }
0x61: {  	[spmem:s1] =	stream.indirect.scatter.add.f32 [tilespmem:s22], [sflag:$0x7], $0x80, s2, s17, $0xb8;
	[tilespmem:$0x1C840] =	vst v63  }
0x62: {  	_ =	swait.ge [sflag:s31], $0x1900  }
0x63: {  	[sflag:s31] =	ssyncset.done $0x0  }
0x64: {  	s2 =	sadd.s32 $0x139D0, s19;
	[sflag:s31] =	ssyncadd.s32 $0xFFFFE700  }
0x65: {  	[tilespmem:s22], [sflag:$0x3] =	stream.indirect.gather [hbm4b:s3+s17], $0x80, s2, s17, $0xb8;
	[tilespmem:$0x1C840] =	vst v63  }
0x66: {  	_ =	swait.ge [sflag:s0], $0x1900  }
0x67: {  	[sflag:s0] =	ssyncset.done $0x0  }
.Ltmp0:
0x68: {  	s2 =	sadd.s32 $0x14F08, s19;
	[sflag:s0] =	ssyncadd.s32 $0xFFFFE700;
	(pc) =	sbr.rel @p1 .LBB2_2-.Ltmp0, $4  }
0x69: {  	[spmem:s1] =	stream.indirect.scatter.add.f32 [tilespmem:s24], [sflag:$0x8], $0x80, s2, s17, $0xb8;
	[tilespmem:$0x1C840] =	vst v63  }
0x6a: {  	_ =	swait.ge [sflag:s16], $0x1900  }
0x6b: {  	[sflag:s16] =	ssyncset.done $0x0  }
0x6c: {  	s19 =	sadd.s32 $0x13A08, s19;
	[sflag:s16] =	ssyncadd.s32 $0xFFFFE700  }
0x6d: {  	[tilespmem:s24], [sflag:$0x4] =	stream.indirect.gather [hbm4b:s3+s17], $0x80, s19, s17, $0xb8;
	[tilespmem:$0x1C840] =	vst v63  }
0x6e: {  	_ =	swait.ge [sflag:s25], $0x1900  }
0x6f: {  	[sflag:s25] =	ssyncset.done $0x0  }
0x70: {  	s2 =	simm.s32 $0x16360;
	[sflag:s25] =	ssyncadd.s32 $0xFFFFE700  }
0x71: {  	[spmem:s1] =	stream.indirect.scatter.add.f32 [tilespmem:s18], [sflag:$0x5], $0x80, s2, s17, $0xb8;
	[tilespmem:$0x1C840] =	vst v63  }
0x72: {  	_ =	swait.ge [sflag:s28], $0x1900  }
0x73: {  	[sflag:s28] =	ssyncset.done $0x0  }
0x74: {  	s23 =	simm.s32 $0x16398;
	[sflag:s28] =	ssyncadd.s32 $0xFFFFE700  }
0x75: {  	[spmem:s1] =	stream.indirect.scatter.add.f32 [tilespmem:s20], [sflag:$0x6], $0x80, s23, s17, $0xb8;
	[tilespmem:$0x1C840] =	vst v63  }
0x76: {  	_ =	swait.ge [sflag:s30], $0x1900  }
0x77: {  	[sflag:s30] =	ssyncset.done $0x0  }
0x78: {  	s19 =	simm.s32 $0x163D0;
	[sflag:s30] =	ssyncadd.s32 $0xFFFFE700  }
0x79: {  	[spmem:s1] =	stream.indirect.scatter.add.f32 [tilespmem:s22], [sflag:$0x7], $0x80, s19, s17, $0xb8;
	[tilespmem:$0x1C840] =	vst v63  }
0x7a: {  	_ =	swait.ge [sflag:s0], $0x1900  }
0x7b: {  	[sflag:s0] =	ssyncset.done $0x0  }
0x7c: {  	s23 =	simm.s32 $0x16408;
	[sflag:s0] =	ssyncadd.s32 $0xFFFFE700  }
0x7d: {  	[spmem:s1] =	stream.indirect.scatter.add.f32 [tilespmem:s24], [sflag:$0x8], $0x80, s23, s17, $0xb8;
	[tilespmem:$0x1C840] =	vst v63  }
0x7e: {  	_ =	swait.ge [sflag:s26], $0x1900  }
0x7f: {  	[sflag:s26] =	ssyncset.done $0x0  }
0x80: {  	[sflag:s26] =	ssyncadd.s32 $0xFFFFE700  }
0x81: {  	_ =	swait.ge [sflag:s29], $0x1900  }
0x82: {  	[sflag:s29] =	ssyncset.done $0x0  }
0x83: {  	[sflag:s29] =	ssyncadd.s32 $0xFFFFE700  }
0x84: {  	_ =	swait.ge [sflag:s31], $0x1900  }
0x85: {  	[sflag:s31] =	ssyncset.done $0x0  }
0x86: {  	[sflag:s31] =	ssyncadd.s32 $0xFFFFE700  }
0x87: {  	_ =	swait.ge [sflag:s16], $0x1900  }
0x88: {  	[sflag:s16] =	ssyncset.done $0x0  }
0x89: {  	[sflag:s16] =	ssyncadd.s32 $0xFFFFE700  }
0x8a: {  	[bflag:$0x0] =	sbarrier.arrive $0xFFFF  }
0x8b: {  	[hbm:s9], [sflag:s5] =	dma.local [spmem:s12], $0x2700  }
0x8c: {  	s21 =	sadd.s32 $0x1, s21;
	_ =	swait.ge [sflag:s13], $0x2700  }
0x8d: {  	p1 =	sne.s32 s21, s11;
	[sflag:s13] =	ssyncset.done $0x0  }
.Ltmp1:
0x8e: {  	s2 =	simm.s32 @!p0 $0x9;
	[sflag:s13] =	ssyncadd.s32 $0xFFFFD900;
	(pc) =	sbr.rel @p1 .LBB2_1-.Ltmp1, $4  }
0x8f: {  	[hbm:s10], [sflag:s5] =	dma.local @!p0 [spmem:s14], $0x100  }
0x90: {  	_ =	swait.ge @!p0 [sflag:s2], $0x100  }
0x91: {  	[sflag:s2] =	ssyncset.done @!p0 $0x0  }
0x92: {  	[sflag:s2] =	ssyncadd.s32 @!p0 $0xFFFFFF00  }
0x93: {  	_ =	sfence.sel $0x180000  }
0x94: {  	[bflag:$0x0] =	sbarrier.arrive $0xFFFF  }
0x95: {  	_ =	strace $0x9000004A  }
0x96: {  	[bflag:$0x2] =	sbarrier.arrive $0xFFFF  }
0x97: {  	s0 =	rddreg [dreg:$0x3]  }
0x98: {  	s0 =	sadd.s32 @!p0 $0x100000, s0  }
0x99: {  	[sflag:s0] =	ssyncadd.tile.s32 @!p0 $0x1;
	_ =	shalt  }
.Lfunc_end2:
_tile_overlayer_lowered:
.L_overlay_start_2:
0x9a: {  	(tag) =	ssettag $0x2  }
0x9b: {  	s0 =	rddreg [dreg:$0x0];
	s2 =	stileid.u32  }
0x9c: {  	s1 =	rddreg [dreg:$0x1];
	p0 =	sne.s32 s2, $0x0  }
0x9d: {  	s3 =	rddreg [dreg:$0x2];
	[bflag:$0x3] =	sbarrier.arrive $0xFFFF;
	s2 =	simm.s32 @!p0 $0x1C09  }
0x9e: {  	[timem:s3], [sflag:s2] =	dma.local @!p0 [hbm:s0], s1  }
0x9f: {  	s0 =	simm.s32 @!p0 $0x9  }
0xa0: {  	_ =	swait.ge @!p0 [sflag:s0], s1  }
0xa1: {  	s1 =	ssub.s32 @!p0 $0x0, s1;
	[sflag:s0] =	ssyncset.done @!p0 $0x0  }
0xa2: {  	[sflag:s0] =	ssyncadd.s32 @!p0 s1  }
0xa3: {  	[bflag:$0x3] =	sbarrier.arrive $0xFFFF  }
0xa4: {  	_ =	shalt  }

// kernel: kernel.15.cloned.1.call-start
scs
__scs_entry_jumppad:
0x0: {  	(pc) =	sbr.rel $0x88, $3  }
0x1: {  	(tag) =	ssettag $0x0;
	lr =	simm.s32 $0x1  }
0x2: {  	[smem:$0x3F9B] =	sst lr;
	_ =	strace $0xD0000000  }
0x3: {  	_ = 	snop  }
0x4: {  	_ = 	snop  }
0x5: {  	_ = 	snop  }
0x6: {  	_ = 	snop  }
0x7: {  	_ = 	snop  }
__scs_overlays_trampoline_lowered:
0x8: {  	[smem:$0x3FAA] =	sst s0  }
0x9: {  	[smem:$0x3FAB] =	sst s1  }
0xa: {  	[smem:$0x3FAC] =	sst s2  }
0xb: {  	[smem:$0x3FAD] =	sst s3  }
0xc: {  	[smem:$0x3FAE] =	sst s4  }
0xd: {  	[smem:$0x3FAF] =	sst s5  }
0xe: {  	[smem:$0x3FB0] =	sst s6  }
0xf: {  	[smem:$0x3FB1] =	sst s7  }
0x10: {  	[smem:$0x3FB2] =	sst s8  }
0x11: {  	[smem:$0x3FB3] =	sst s9;
	s0 =	simm.s32 @!p0 $0x0  }
0x12: {  	s1 =	sld [smem:$0x3F99];
	s0 =	simm.s32 @p0 $0x1  }
0x13: {  	[smem:$0x3FB4] =	sst s0;
	s0 =	simm.s32 @!p1 $0x0  }
0x14: {  	s2 =	sld [smem:$0x3F98];
	s0 =	simm.s32 @p1 $0x1  }
0x15: {  	[smem:$0x3FB5] =	sst s0;
	s0 =	simm.s32 @!p2 $0x0  }
0x16: {  	s3 =	sld [smem:$0x3FDB];
	s0 =	simm.s32 @p2 $0x1  }
0x17: {  	s4 =	simm.s32 $0x1BF5;
	[smem:$0x3FB7] =	sst s0  }
0x18: {  	s0 =	sld [smem:$0x3F9A];
	_ =	swait.ge [sflag:s4], $0x0  }
0x19: {  	s7 =	sld [smem:$0x3F9B]  }
0x1a: {  	s8 =	sadd.s32 $0xFFFFE003, lr  }
0x1b: {  	s9 =	sadd.s32 $0xFFFFFEF7, lr;
	s5 =	simm.s32 $0xFFFFFFFF;
	p2 =	slt.u32 s8, $0xFFFFF086  }
0x1c: {  	p1 =	slt.u32 s9, $0xF7A;
	s5 =	simm.s32 @!p2 $0x0  }
0x1d: {  	s5 =	simm.s32 @p1 $0x1;
	p0 =	seq.s32 s7, s2  }
0x1e: {  	s7 =	smul.u32 @!p0 $0xF7A, s2;
	p2 =	seq.s32 @!p0 s5, $0x0  }
0x1f: {  	s9 =	smul.u32 $0xF7A, s1;
	s8 =	simm.s32 @!p0 $0x1BF5;
	p2 =	por !p2, p0  }
0x20: {  	[sflag:s8] =	ssyncset.s32 @!p0 $0xFFFFF086;
	s6 =	sadd.s32 @!p0 s3, s7;
	s7 =	simm.s32 @!p0 $0x108  }
0x21: {  	s3 =	sadd.s32 s3, s9;
	s6 =	sadd.s32 @!p0 $0x88, s6;
	s7 =	simm.s32 @p2 $0x1082  }
0x22: {  	[simem:s7], [sflag:s8] =	dma.local @!p0 [hbm:s6], $0xF7A  }
0x23: {  	s9 =	sor.u32 $0xD0000000, s2;
	s6 =	simm.s32 $0x108;
	_ =	swait.ge @!p0 [sflag:s8], $0x0  }
0x24: {  	s3 =	sadd.s32 $0x88, s3;
	s6 =	simm.s32 @!p1 $0x1082;
	[sflag:s4] =	ssyncset.s32 $0xFFFFF086  }
0x25: {  	[simem:s6], [sflag:s4] =	dma.local [hbm:s3], $0xF7A  }
0x26: {  	[smem:$0x3F9B] =	sst s1;
	(tag) =	ssettag s2;
	_ =	strace s9  }
0x27: {  	s1 =	sld [smem:$0x3FAB]  }
0x28: {  	s2 =	sld [smem:$0x3FAC]  }
0x29: {  	s4 =	sld [smem:$0x3FAE]  }
0x2a: {  	p0 =	seq.s32 s5, $0x0;
	s5 =	sld [smem:$0x3FAF]  }
0x2b: {  	s6 =	sld [smem:$0x3FB0]  }
0x2c: {  	s7 =	sld [smem:$0x3FB1]  }
0x2d: {  	s3 =	simm.s32 $0x108;
	s8 =	sld [smem:$0x3FB2]  }
0x2e: {  	s3 =	simm.s32 @!p0 $0x1082;
	s9 =	sld [smem:$0x3FB3]  }
0x2f: {  	lr =	sadd.s32 s0, s3;
	s0 =	sld [smem:$0x3FAA]  }
0x30: {  	s3 =	sld [smem:$0x3FAD]  }
0x31: {  	[smem:$0x3FB6] =	sst s10  }
0x32: {  	s10 =	sld [smem:$0x3FB4];
	_ =	sdelay $0x3  }
0x33: {  	p0 =	seq.s32 s10, $0x1;
	s10 =	sld [smem:$0x3FB6];
	_ =	sdelay $0x3  }
0x34: {  	[smem:$0x3FB6] =	sst s10  }
0x35: {  	s10 =	sld [smem:$0x3FB5];
	_ =	sdelay $0x3  }
0x36: {  	p1 =	seq.s32 s10, $0x1;
	s10 =	sld [smem:$0x3FB6];
	_ =	sdelay $0x3  }
0x37: {  	[smem:$0x3FB6] =	sst s10  }
0x38: {  	s10 =	sld [smem:$0x3FB7]  }
0x39: {  	_ = 	snop;
	(pc) =	sbr.ind lr, $3  }
0x3a: {  	_ = 	snop  }
0x3b: {  	_ = 	snop  }
0x3c: {  	p2 =	seq.s32 s10, $0x1;
	s10 =	sld [smem:$0x3FB6]  }
0x3d: {  	_ =	shalt  }
0x3e: {  	_ =	shalt  }
0x3f: {  	_ =	shalt  }
0x40: {  	_ =	shalt  }
0x41: {  	_ =	shalt  }
0x42: {  	_ =	shalt  }
0x43: {  	_ =	shalt  }
0x44: {  	_ =	shalt  }
0x45: {  	_ =	shalt  }
0x46: {  	_ =	shalt  }
0x47: {  	_ =	shalt  }
0x48: {  	_ =	shalt  }
0x49: {  	_ =	shalt  }
0x4a: {  	_ =	shalt  }
0x4b: {  	_ =	shalt  }
0x4c: {  	_ =	shalt  }
0x4d: {  	_ =	shalt  }
0x4e: {  	_ =	shalt  }
0x4f: {  	_ =	shalt  }
0x50: {  	_ =	shalt  }
0x51: {  	_ =	shalt  }
0x52: {  	_ =	shalt  }
0x53: {  	_ =	shalt  }
0x54: {  	_ =	shalt  }
0x55: {  	_ =	shalt  }
0x56: {  	_ =	shalt  }
0x57: {  	_ =	shalt  }
0x58: {  	_ =	shalt  }
0x59: {  	_ =	shalt  }
0x5a: {  	_ =	shalt  }
0x5b: {  	_ =	shalt  }
0x5c: {  	_ =	shalt  }
0x5d: {  	_ =	shalt  }
0x5e: {  	_ =	shalt  }
0x5f: {  	_ =	shalt  }
0x60: {  	_ =	shalt  }
0x61: {  	_ =	shalt  }
0x62: {  	_ =	shalt  }
0x63: {  	_ =	shalt  }
0x64: {  	_ =	shalt  }
0x65: {  	_ =	shalt  }
0x66: {  	_ =	shalt  }
0x67: {  	_ =	shalt  }
0x68: {  	_ =	shalt  }
0x69: {  	_ =	shalt  }
0x6a: {  	_ =	shalt  }
0x6b: {  	_ =	shalt  }
0x6c: {  	_ =	shalt  }
0x6d: {  	_ =	shalt  }
0x6e: {  	_ =	shalt  }
0x6f: {  	_ =	shalt  }
0x70: {  	_ =	shalt  }
0x71: {  	_ =	shalt  }
0x72: {  	_ =	shalt  }
0x73: {  	_ =	shalt  }
0x74: {  	_ =	shalt  }
0x75: {  	_ =	shalt  }
0x76: {  	_ =	shalt  }
0x77: {  	_ =	shalt  }
0x78: {  	_ =	shalt  }
0x79: {  	_ =	shalt  }
0x7a: {  	_ =	shalt  }
0x7b: {  	_ =	shalt  }
0x7c: {  	_ =	shalt  }
0x7d: {  	_ =	shalt  }
0x7e: {  	_ =	shalt  }
0x7f: {  	_ =	shalt  }
0x80: {  	_ =	shalt  }
0x81: {  	_ =	shalt  }
0x82: {  	_ =	shalt  }
0x83: {  	_ =	shalt  }
0x84: {  	_ =	shalt  }
0x85: {  	_ =	shalt  }
0x86: {  	_ =	shalt  }
0x87: {  	_ =	shalt  }
.Lfunc_end0:
.L_simem_size_0:
called_computation.2_lowered:
.L_overlay_start_0:
0x88: {  	s2 =	sld [smem:$0x3FD9]  }
0x89: {  	s3 =	sld [smem:$0x3FFE];
	_ =	sdelay $0x1  }
0x8a: {  	s1 =	srdreg.scid  }
0x8b: {  	s0 =	sand.u32 $0x1, s1  }
0x8c: {  	s17 =	sshll.u32 s0, $0xA;
	s2 =	sadd.s32 s3, s2  }
0x8d: {  	s2 =	sadd.s32 s2, s17  }
0x8e: {  	[smem:$0x3FC2] =	sst s2  }
0x8f: {  	_ = 	snop  }
0x90: {  	s2 =	sld [smem:$0x3FD0];
	(tm) =	ssettm $0x1  }
0x91: {  	s18 =	sld [smem:$0x3FFB];
	_ =	sdelay $0x3  }
0x92: {  	_ =	strace s18  }
0x93: {  	s3 =	sld [smem:$0x3FFC];
	_ =	sdelay $0x3  }
0x94: {  	_ =	strace s3  }
0x95: {  	s3 =	sld [smem:$0x3FFD];
	_ =	sdelay $0x3  }
0x96: {  	_ =	strace s3  }
0x97: {  	_ =	strace $0x8FFFFFFF  }
0x98: {  	s19 =	sld [smem:$0x3FDB];
	_ =	sdelay $0x1  }
0x99: {  	s4 =	simm.s32 $_scs_section_size  }
0x9a: {  	s5 =	simm.s32 $_size__tile_overlayer_lowered;
	s6 =	simm.s32 $_tile_overlayer_lowered  }
0x9b: {  	s22 =	simm.s32 $0x1BFF;
	s21 =	sshll.u32 s6, $0x1;
	s3 =	sadd.s32 s4, s19  }
0x9c: {  	s7 =	simm.s32 $0x0;
	s20 =	sshll.u32 s5, $0x1;
	s5 =	sadd.s32 s21, s3  }
0x9d: {  	[timem:s7], [sflag:s22] =	dma.local [hbm:s5], s20  }
0x9e: {  	_ =	swait.ge [sflag:s22], s20  }
0x9f: {  	s4 =	ssub.s32 $0x0, s20;
	[sflag:s22] =	ssyncset.done $0x0  }
0xa0: {  	[sflag:s22] =	ssyncadd.s32 s4;
	_ =	sdelay $0x1  }
0xa1: {  	s23 =	simm.s32 $0x1B8B  }
0xa2: {  	_ =	swait.ge [sflag:s23], $0x1  }
0xa3: {  	[sflag:s23] =	ssyncset.done $0x0  }
0xa4: {  	s25 =	simm.s32 $0x1B8E;
	s24 =	sld [smem:$0x3FFE];
	[sflag:s23] =	ssyncadd.s32 $0xFFFFFFFF  }
0xa5: {  	s26 =	simm.s32 $execute0_lowered;
	[smem:$0x3FD2] =	sst s25  }
0xa6: {  	s5 =	sshll.u32 s26, $0x1;
	_ =	strace $0x8000004C;
	[dreg:$0x1] =	wrdreg $0xFFFFFFFF  }
0xa7: {  	s28 =	simm.s32 $_size_execute0_lowered;
	s3 =	sadd.s32 s3, s5;
	[dreg:$0x0] =	wrdreg $0x0  }
0xa8: {  	s5 =	sshll.u32 s28, $0x1;
	[dreg:$0x2] =	wrdreg s3  }
0xa9: {  	[dreg:$0x3] =	wrdreg s5  }
0xaa: {  	[dreg:$0x4] =	wrdreg $0xC0  }
0xab: {  	_ =	task [dreg:s7], $0x5FFFF  }
0xac: {  	[dreg:$0x1] =	wrdreg $0xFFFFFFFF  }
0xad: {  	[dreg:$0x0] =	wrdreg $0x60  }
0xae: {  	[dreg:$0x2] =	wrdreg s2  }
0xaf: {  	[dreg:$0x3] =	wrdreg s24  }
0xb0: {  	[dreg:$0x4] =	wrdreg $0x0  }
0xb1: {  	[dreg:$0x5] =	wrdreg $0x9  }
0xb2: {  	_ =	task.clear_ibuf [dreg:s7], $0x6FFFF;
	_ =	strace $0x9000004C  }
0xb3: {  	s29 =	simm.s32 $0x9;
	_ =	strace $0x8000004E  }
0xb4: {  	_ =	swait.ge [sflag:s29], $0x1  }
0xb5: {  	[sflag:s29] =	ssyncadd.s32 $0xFFFFFFFF  }
0xb6: {  	_ =	strace $0x9000004E  }
0xb7: {  	_ =	sfence  }
0xb8: {  	s30 =	sld [smem:$0x0];
	_ =	sdelay $0x2  }
0xb9: {  	s31 =	sshll.u32 s1, $0xD;
	s1 =	sshrl.u32 s1, $0x2  }
0xba: {  	s3 =	sand.u32 $0x4000, s31;
	s1 =	sadd.s32 s1, s30  }
0xbb: {  	s0 =	sor.u32 s3, s0;
	s1 =	sshll.u32 s1, $0x11  }
0xbc: {  	s0 =	sor.u32 s1, s0  }
0xbd: {  	s0 =	sadd.s32 $0x8F2B, s0  }
0xbe: {  	[sflag:s0] =	ssyncadd.remote.s32 $0x1  }
0xbf: {  	_ =	sfence.sel $0xFFFF  }
0xc0: {  	[dreg:$0x0] =	wrdreg $0xFFFFFFFF;
	(pc) =	sbr.abs _section_cstart, $3  }
0xc1: {  	[dreg:$0x1] =	wrdreg $0xFFFFFFFF  }
0xc2: {  	_ =	task.clear_ibuf [dreg:s7], $0x2FFFF;
	_ =	strace $0x9FFFFFFF  }
0xc3: {  	(tm) =	ssettm $0x7FFFFFFF  }
tec
execute0_lowered:
.L_overlay_start_1:
0x0: {  	(tag) =	ssettag $0x1  }
0x1: {  	s0 =	srdreg.scid  }
0x2: {  	s12 =	stileid.u32;
	s4 =	rddreg [dreg:$0x1]  }
0x3: {  	s21 =	simm.s32 $0x0;
	s17 =	simm.s32 $0x32;
	s18 =	simm.s32 $0x19000  }
0x4: {  	s20 =	simm.s32 $0x1A900;
	s28 =	simm.s32 $0x2;
	s2 =	smul.u32 $0x2710, s12  }
0x5: {  	s29 =	simm.s32 $0x6;
	s30 =	simm.s32 $0x3;
	s6 =	smul.u32 $0x578, s12  }
0x6: {  	s31 =	simm.s32 $0x7;
	s0 =	sand.u32 $0x1, s0;
	s7 =	smul.u32 $0x4E000, s12  }
0x7: {  	[smem:$0x7FF] =	sst s21;
	s10 =	smul.u32 $0x270, s12;
	s13 =	sadd.s32 $0x41000, s4  }
0x8: {  	s26 =	sshll.u32 s12, $0x6;
	p0 =	sne.s32 s12, $0x0;
	s1 =	smul.u32 $0x27100, s0  }
0x9: {  	s21 =	simm.s32 $0x0;
	s8 =	smul.u32 $0x2710, s0;
	s22 =	ssub.s32 $0x2, s0  }
0xa: {  	s0 =	smul.u32 $0x138800, s0;
	s11 =	sadd.s32 s6, s4;
	s23 =	sshrl.u32 s22, $0x1  }
0xb: {  	s24 =	sshrl.u32 s7, $0x2;
	s2 =	sadd.s32 s2, s1;
	s1 =	rddreg [dreg:$0x0]  }
0xc: {  	s25 =	sadd.s32 s10, s8;
	s14 =	ssub.s32 s22, s23;
	s0 =	sshrl.u32 s0, $0x3  }
0xd: {  	s8 =	sadd.s32 $0x9600, s11;
	s22 =	simm.s32 $0x1C200;
	s3 =	smulhi.u32 $0x51EB852, s2  }
0xe: {  	s2 =	rddreg [dreg:$0x2];
	_ =	strace $0x8000004D;
	s10 =	sshll.u32 s25, $0x4  }
0xf: {  	s0 =	sadd.s32 $0x27000, s0;
	s11 =	smax.u32 s14, $0x1;
	s25 =	simm.s32 $0x1  }
0x10: {  	s15 =	sadd.s32 s24, s2;
	s16 =	sadd.s32 $0x138000, s2;
	s6 =	sadd.s32 s1, s0  }
0x11: {  	s24 =	simm.s32 $0x1DB00;
	s5 =	smul.u32 $0x7, s3;
	s12 =	sshrl.u32 s15, $0x3  }
0x12: {  	s14 =	sshrl.u32 @!p0 s16, $0x3;
	s15 =	simm.s32 $0x13880;
	s16 =	simm.s32 $0x8  }
0x13: {  	s9 =	sadd.s32 s5, s4;
	s4 =	sadd.s32 s1, s10;
	s5 =	sor.u32 $0x1C09, s26  }
0x14: {  	s26 =	simm.s32 $0x5;
	s7 =	sadd.s32 $0x36000, s9;
	s9 =	sadd.s32 s13, s10  }
0x15: {  	s10 =	sadd.s32 s13, s0;
	s13 =	simm.s32 $0x9;
	s0 =	simm.s32 $0x4  }
.LBB2_1:
0x16: {  	[spmem:s12], [sflag:s5] =	dma.local [hbm:s4], $0x2700  }
0x17: {  	_ =	swait.ge [sflag:s13], $0x2700  }
0x18: {  	[sflag:s13] =	ssyncset.done $0x0  }
0x19: {  	s19 =	simm.s32 @!p0 $0x9;
	[sflag:s13] =	ssyncadd.s32 $0xFFFFD900  }
0x1a: {  	[spmem:s14], [sflag:s5] =	dma.local @!p0 [hbm:s6], $0x100  }
0x1b: {  	_ =	swait.ge @!p0 [sflag:s19], $0x100  }
0x1c: {  	[sflag:s19] =	ssyncset.done @!p0 $0x0  }
0x1d: {  	s3 =	simm.s32 $0x0;
	[sflag:s19] =	ssyncadd.s32 @!p0 $0xFFFFFF00  }
0x1e: {  	[tilespmem:s15], [sflag:$0x9] =	stream.linear.gather [hbm4b:s7+s3], $0x2BC0, $0x38;
	[tilespmem:$0x1F400] =	vst v63  }
0x1f: {  	_ =	swait.ge [sflag:s13], $0x2BC0  }
0x20: {  	[sflag:s13] =	ssyncset.done $0x0  }
0x21: {  	s23 =	simm.s32 $0x16440;
	[sflag:s13] =	ssyncadd.s32 $0xFFFFD440  }
0x22: {  	[tilespmem:s23], [sflag:$0x9] =	stream.linear.gather [hbm4b:s8+s3], $0x2BC0, $0x38;
	[tilespmem:$0x1F400] =	vst v63  }
0x23: {  	_ =	swait.ge [sflag:s13], $0x2BC0  }
0x24: {  	[sflag:s13] =	ssyncset.done $0x0  }
0x25: {  	[sflag:s13] =	ssyncadd.s32 $0xFFFFD440  }
0x26: {  	[bflag:$0x0] =	sbarrier.arrive $0xFFFF  }
0x27: {  	[tilespmem:s18], [sflag:$0x1] =	stream.indirect.gather [hbm4b:s1+s17], $0x80, s15, s17, $0xb8;
	[tilespmem:$0x1F400] =	vst v63  }
0x28: {  	s19 =	simm.s32 $0x138B8  }
0x29: {  	[tilespmem:s20], [sflag:$0x2] =	stream.indirect.gather [hbm4b:s1+s17], $0x80, s19, s17, $0xb8;
	[tilespmem:$0x1F400] =	vst v63  }
0x2a: {  	s23 =	simm.s32 $0x138F0  }
0x2b: {  	[tilespmem:s22], [sflag:$0x3] =	stream.indirect.gather [hbm4b:s1+s17], $0x80, s23, s17, $0xb8;
	[tilespmem:$0x1F400] =	vst v63  }
0x2c: {  	s19 =	simm.s32 $0x13928  }
0x2d: {  	[tilespmem:s24], [sflag:$0x4] =	stream.indirect.gather [hbm4b:s1+s17], $0x80, s19, s17, $0xb8;
	[tilespmem:$0x1F400] =	vst v63  }
0x2e: {  	_ =	swait.ge [sflag:s25], $0x1900  }
0x2f: {  	[sflag:s25] =	ssyncset.done $0x0  }
0x30: {  	s23 =	simm.s32 $0x16440;
	[sflag:s25] =	ssyncadd.s32 $0xFFFFE700  }
0x31: {  	[spmem:s2] =	stream.indirect.scatter.add.f32 [tilespmem:s18], [sflag:$0x5], $0x80, s23, s17, $0xb8;
	[tilespmem:$0x1F400] =	vst v63  }
0x32: {  	_ =	swait.ge [sflag:s26], $0x1900  }
0x33: {  	[sflag:s26] =	ssyncset.done $0x0  }
0x34: {  	s3 =	simm.s32 $0x13960;
	[sflag:s26] =	ssyncadd.s32 $0xFFFFE700  }
0x35: {  	[tilespmem:s18], [sflag:$0x1] =	stream.indirect.gather [hbm4b:s1+s17], $0x80, s3, s17, $0xb8;
	[tilespmem:$0x1F400] =	vst v63  }
0x36: {  	_ =	swait.ge [sflag:s28], $0x1900  }
0x37: {  	[sflag:s28] =	ssyncset.done $0x0  }
0x38: {  	s23 =	simm.s32 $0x16478;
	[sflag:s28] =	ssyncadd.s32 $0xFFFFE700  }
0x39: {  	[spmem:s2] =	stream.indirect.scatter.add.f32 [tilespmem:s20], [sflag:$0x6], $0x80, s23, s17, $0xb8;
	[tilespmem:$0x1F400] =	vst v63  }
0x3a: {  	_ =	swait.ge [sflag:s29], $0x1900  }
0x3b: {  	[sflag:s29] =	ssyncset.done $0x0  }
0x3c: {  	s3 =	simm.s32 $0x13998;
	[sflag:s29] =	ssyncadd.s32 $0xFFFFE700  }
0x3d: {  	[tilespmem:s20], [sflag:$0x2] =	stream.indirect.gather [hbm4b:s1+s17], $0x80, s3, s17, $0xb8;
	[tilespmem:$0x1F400] =	vst v63  }
0x3e: {  	_ =	swait.ge [sflag:s30], $0x1900  }
0x3f: {  	[sflag:s30] =	ssyncset.done $0x0  }
0x40: {  	s23 =	simm.s32 $0x164B0;
	[sflag:s30] =	ssyncadd.s32 $0xFFFFE700  }
0x41: {  	[spmem:s2] =	stream.indirect.scatter.add.f32 [tilespmem:s22], [sflag:$0x7], $0x80, s23, s17, $0xb8;
	[tilespmem:$0x1F400] =	vst v63  }
0x42: {  	_ =	swait.ge [sflag:s31], $0x1900  }
0x43: {  	[sflag:s31] =	ssyncset.done $0x0  }
0x44: {  	s3 =	simm.s32 $0x139D0;
	[sflag:s31] =	ssyncadd.s32 $0xFFFFE700  }
0x45: {  	[tilespmem:s22], [sflag:$0x3] =	stream.indirect.gather [hbm4b:s1+s17], $0x80, s3, s17, $0xb8;
	[tilespmem:$0x1F400] =	vst v63  }
0x46: {  	_ =	swait.ge [sflag:s0], $0x1900  }
0x47: {  	[sflag:s0] =	ssyncset.done $0x0  }
0x48: {  	s23 =	simm.s32 $0x164E8;
	[sflag:s0] =	ssyncadd.s32 $0xFFFFE700  }
0x49: {  	[spmem:s2] =	stream.indirect.scatter.add.f32 [tilespmem:s24], [sflag:$0x8], $0x80, s23, s17, $0xb8;
	[tilespmem:$0x1F400] =	vst v63  }
0x4a: {  	_ =	swait.ge [sflag:s16], $0x1900  }
0x4b: {  	[sflag:s16] =	ssyncset.done $0x0  }
0x4c: {  	s19 =	simm.s32 $0x13A08;
	s23 =	simm.s32 $0x380;
	[sflag:s16] =	ssyncadd.s32 $0xFFFFE700  }
.LBB2_2:
0x4d: {  	[tilespmem:s24], [sflag:$0x4] =	stream.indirect.gather [hbm4b:s1+s17], $0x80, s19, s17, $0xb8;
	[tilespmem:$0x1F400] =	vst v63  }
0x4e: {  	s19 =	smov.u32 s23  }
0x4f: {  	p1 =	sne.s32 s23, $0xA800;
	s23 =	sadd.s32 $0x380, s23;
	_ =	swait.ge [sflag:s25], $0x1900  }
0x50: {  	s19 =	sshra.s32 s19, $0x2;
	[sflag:s25] =	ssyncset.done $0x0  }
0x51: {  	s3 =	sadd.s32 $0x16440, s19;
	[sflag:s25] =	ssyncadd.s32 $0xFFFFE700  }
0x52: {  	[spmem:s2] =	stream.indirect.scatter.add.f32 [tilespmem:s18], [sflag:$0x5], $0x80, s3, s17, $0xb8;
	[tilespmem:$0x1F400] =	vst v63  }
0x53: {  	_ =	swait.ge [sflag:s26], $0x1900  }
0x54: {  	[sflag:s26] =	ssyncset.done $0x0  }
0x55: {  	s3 =	sadd.s32 $0x13960, s19;
	[sflag:s26] =	ssyncadd.s32 $0xFFFFE700  }
0x56: {  	[tilespmem:s18], [sflag:$0x1] =	stream.indirect.gather [hbm4b:s1+s17], $0x80, s3, s17, $0xb8;
	[tilespmem:$0x1F400] =	vst v63  }
0x57: {  	_ =	swait.ge [sflag:s28], $0x1900  }
0x58: {  	[sflag:s28] =	ssyncset.done $0x0  }
0x59: {  	s3 =	sadd.s32 $0x16478, s19;
	[sflag:s28] =	ssyncadd.s32 $0xFFFFE700  }
0x5a: {  	[spmem:s2] =	stream.indirect.scatter.add.f32 [tilespmem:s20], [sflag:$0x6], $0x80, s3, s17, $0xb8;
	[tilespmem:$0x1F400] =	vst v63  }
0x5b: {  	_ =	swait.ge [sflag:s29], $0x1900  }
0x5c: {  	[sflag:s29] =	ssyncset.done $0x0  }
0x5d: {  	s3 =	sadd.s32 $0x13998, s19;
	[sflag:s29] =	ssyncadd.s32 $0xFFFFE700  }
0x5e: {  	[tilespmem:s20], [sflag:$0x2] =	stream.indirect.gather [hbm4b:s1+s17], $0x80, s3, s17, $0xb8;
	[tilespmem:$0x1F400] =	vst v63  }
0x5f: {  	_ =	swait.ge [sflag:s30], $0x1900  }
0x60: {  	[sflag:s30] =	ssyncset.done $0x0  }
0x61: {  	s3 =	sadd.s32 $0x164B0, s19;
	[sflag:s30] =	ssyncadd.s32 $0xFFFFE700  }
0x62: {  	[spmem:s2] =	stream.indirect.scatter.add.f32 [tilespmem:s22], [sflag:$0x7], $0x80, s3, s17, $0xb8;
	[tilespmem:$0x1F400] =	vst v63  }
0x63: {  	_ =	swait.ge [sflag:s31], $0x1900  }
0x64: {  	[sflag:s31] =	ssyncset.done $0x0  }
0x65: {  	s3 =	sadd.s32 $0x139D0, s19;
	[sflag:s31] =	ssyncadd.s32 $0xFFFFE700  }
0x66: {  	[tilespmem:s22], [sflag:$0x3] =	stream.indirect.gather [hbm4b:s1+s17], $0x80, s3, s17, $0xb8;
	[tilespmem:$0x1F400] =	vst v63  }
0x67: {  	_ =	swait.ge [sflag:s0], $0x1900  }
0x68: {  	[sflag:s0] =	ssyncset.done $0x0  }
.Ltmp0:
0x69: {  	s3 =	sadd.s32 $0x164E8, s19;
	[sflag:s0] =	ssyncadd.s32 $0xFFFFE700;
	(pc) =	sbr.rel @p1 .LBB2_2-.Ltmp0, $4  }
0x6a: {  	[spmem:s2] =	stream.indirect.scatter.add.f32 [tilespmem:s24], [sflag:$0x8], $0x80, s3, s17, $0xb8;
	[tilespmem:$0x1F400] =	vst v63  }
0x6b: {  	_ =	swait.ge [sflag:s16], $0x1900  }
0x6c: {  	[sflag:s16] =	ssyncset.done $0x0  }
0x6d: {  	s19 =	sadd.s32 $0x13A08, s19;
	[sflag:s16] =	ssyncadd.s32 $0xFFFFE700  }
0x6e: {  	[tilespmem:s24], [sflag:$0x4] =	stream.indirect.gather [hbm4b:s1+s17], $0x80, s19, s17, $0xb8;
	[tilespmem:$0x1F400] =	vst v63  }
0x6f: {  	_ =	swait.ge [sflag:s25], $0x1900  }
0x70: {  	[sflag:s25] =	ssyncset.done $0x0  }
0x71: {  	s3 =	simm.s32 $0x18F20;
	[sflag:s25] =	ssyncadd.s32 $0xFFFFE700  }
0x72: {  	[spmem:s2] =	stream.indirect.scatter.add.f32 [tilespmem:s18], [sflag:$0x5], $0x80, s3, s17, $0xb8;
	[tilespmem:$0x1F400] =	vst v63  }
0x73: {  	_ =	swait.ge [sflag:s28], $0x1900  }
0x74: {  	[sflag:s28] =	ssyncset.done $0x0  }
0x75: {  	s23 =	simm.s32 $0x18F58;
	[sflag:s28] =	ssyncadd.s32 $0xFFFFE700  }
0x76: {  	[spmem:s2] =	stream.indirect.scatter.add.f32 [tilespmem:s20], [sflag:$0x6], $0x80, s23, s17, $0xb8;
	[tilespmem:$0x1F400] =	vst v63  }
0x77: {  	_ =	swait.ge [sflag:s30], $0x1900  }
0x78: {  	[sflag:s30] =	ssyncset.done $0x0  }
0x79: {  	s19 =	simm.s32 $0x18F90;
	[sflag:s30] =	ssyncadd.s32 $0xFFFFE700  }
0x7a: {  	[spmem:s2] =	stream.indirect.scatter.add.f32 [tilespmem:s22], [sflag:$0x7], $0x80, s19, s17, $0xb8;
	[tilespmem:$0x1F400] =	vst v63  }
0x7b: {  	_ =	swait.ge [sflag:s0], $0x1900  }
0x7c: {  	[sflag:s0] =	ssyncset.done $0x0  }
0x7d: {  	s23 =	simm.s32 $0x18FC8;
	[sflag:s0] =	ssyncadd.s32 $0xFFFFE700  }
0x7e: {  	[spmem:s2] =	stream.indirect.scatter.add.f32 [tilespmem:s24], [sflag:$0x8], $0x80, s23, s17, $0xb8;
	[tilespmem:$0x1F400] =	vst v63  }
0x7f: {  	_ =	swait.ge [sflag:s26], $0x1900  }
0x80: {  	[sflag:s26] =	ssyncset.done $0x0  }
0x81: {  	[sflag:s26] =	ssyncadd.s32 $0xFFFFE700  }
0x82: {  	_ =	swait.ge [sflag:s29], $0x1900  }
0x83: {  	[sflag:s29] =	ssyncset.done $0x0  }
0x84: {  	[sflag:s29] =	ssyncadd.s32 $0xFFFFE700  }
0x85: {  	_ =	swait.ge [sflag:s31], $0x1900  }
0x86: {  	[sflag:s31] =	ssyncset.done $0x0  }
0x87: {  	[sflag:s31] =	ssyncadd.s32 $0xFFFFE700  }
0x88: {  	_ =	swait.ge [sflag:s16], $0x1900  }
0x89: {  	[sflag:s16] =	ssyncset.done $0x0  }
0x8a: {  	[sflag:s16] =	ssyncadd.s32 $0xFFFFE700  }
0x8b: {  	[bflag:$0x0] =	sbarrier.arrive $0xFFFF  }
0x8c: {  	[hbm:s9], [sflag:s5] =	dma.local [spmem:s12], $0x2700  }
0x8d: {  	s21 =	sadd.s32 $0x1, s21;
	_ =	swait.ge [sflag:s13], $0x2700  }
0x8e: {  	p1 =	sne.s32 s21, s11;
	[sflag:s13] =	ssyncset.done $0x0  }
.Ltmp1:
0x8f: {  	s3 =	simm.s32 @!p0 $0x9;
	[sflag:s13] =	ssyncadd.s32 $0xFFFFD900;
	(pc) =	sbr.rel @p1 .LBB2_1-.Ltmp1, $4  }
0x90: {  	[hbm:s10], [sflag:s5] =	dma.local @!p0 [spmem:s14], $0x100  }
0x91: {  	_ =	swait.ge @!p0 [sflag:s3], $0x100  }
0x92: {  	[sflag:s3] =	ssyncset.done @!p0 $0x0  }
0x93: {  	[sflag:s3] =	ssyncadd.s32 @!p0 $0xFFFFFF00  }
0x94: {  	_ =	sfence.sel $0x180000  }
0x95: {  	[bflag:$0x0] =	sbarrier.arrive $0xFFFF  }
0x96: {  	_ =	strace $0x9000004D  }
0x97: {  	[bflag:$0x2] =	sbarrier.arrive $0xFFFF  }
0x98: {  	s0 =	rddreg [dreg:$0x3]  }
0x99: {  	s0 =	sadd.s32 @!p0 $0x100000, s0  }
0x9a: {  	[sflag:s0] =	ssyncadd.tile.s32 @!p0 $0x1;
	_ =	shalt  }
.Lfunc_end2:
_tile_overlayer_lowered:
.L_overlay_start_2:
0x9b: {  	(tag) =	ssettag $0x2  }
0x9c: {  	s0 =	rddreg [dreg:$0x0];
	s2 =	stileid.u32  }
0x9d: {  	s1 =	rddreg [dreg:$0x1];
	p0 =	sne.s32 s2, $0x0  }
0x9e: {  	s3 =	rddreg [dreg:$0x2];
	[bflag:$0x3] =	sbarrier.arrive $0xFFFF;
	s2 =	simm.s32 @!p0 $0x1C09  }
0x9f: {  	[timem:s3], [sflag:s2] =	dma.local @!p0 [hbm:s0], s1  }
0xa0: {  	s0 =	simm.s32 @!p0 $0x9  }
0xa1: {  	_ =	swait.ge @!p0 [sflag:s0], s1  }
0xa2: {  	s1 =	ssub.s32 @!p0 $0x0, s1;
	[sflag:s0] =	ssyncset.done @!p0 $0x0  }
0xa3: {  	[sflag:s0] =	ssyncadd.s32 @!p0 s1  }
0xa4: {  	[bflag:$0x3] =	sbarrier.arrive $0xFFFF  }
0xa5: {  	_ =	shalt  }

// kernel: kernel.9.cloned.1.call-start
scs
__scs_entry_jumppad:
0x0: {  	(pc) =	sbr.rel $0x88, $3  }
0x1: {  	(tag) =	ssettag $0x0;
	lr =	simm.s32 $0x1  }
0x2: {  	[smem:$0x3F9B] =	sst lr;
	_ =	strace $0xD0000000  }
0x3: {  	_ = 	snop  }
0x4: {  	_ = 	snop  }
0x5: {  	_ = 	snop  }
0x6: {  	_ = 	snop  }
0x7: {  	_ = 	snop  }
__scs_overlays_trampoline_lowered:
0x8: {  	[smem:$0x3FAA] =	sst s0  }
0x9: {  	[smem:$0x3FAB] =	sst s1  }
0xa: {  	[smem:$0x3FAC] =	sst s2  }
0xb: {  	[smem:$0x3FAD] =	sst s3  }
0xc: {  	[smem:$0x3FAE] =	sst s4  }
0xd: {  	[smem:$0x3FAF] =	sst s5  }
0xe: {  	[smem:$0x3FB0] =	sst s6  }
0xf: {  	[smem:$0x3FB1] =	sst s7  }
0x10: {  	[smem:$0x3FB2] =	sst s8  }
0x11: {  	[smem:$0x3FB3] =	sst s9;
	s0 =	simm.s32 @!p0 $0x0  }
0x12: {  	s1 =	sld [smem:$0x3F99];
	s0 =	simm.s32 @p0 $0x1  }
0x13: {  	[smem:$0x3FB4] =	sst s0;
	s0 =	simm.s32 @!p1 $0x0  }
0x14: {  	s2 =	sld [smem:$0x3F98];
	s0 =	simm.s32 @p1 $0x1  }
0x15: {  	[smem:$0x3FB5] =	sst s0;
	s0 =	simm.s32 @!p2 $0x0  }
0x16: {  	s3 =	sld [smem:$0x3FDB];
	s0 =	simm.s32 @p2 $0x1  }
0x17: {  	s4 =	simm.s32 $0x1BF5;
	[smem:$0x3FB7] =	sst s0  }
0x18: {  	s0 =	sld [smem:$0x3F9A];
	_ =	swait.ge [sflag:s4], $0x0  }
0x19: {  	s7 =	sld [smem:$0x3F9B]  }
0x1a: {  	s8 =	sadd.s32 $0xFFFFE003, lr  }
0x1b: {  	s9 =	sadd.s32 $0xFFFFFEF7, lr;
	s5 =	simm.s32 $0xFFFFFFFF;
	p2 =	slt.u32 s8, $0xFFFFF086  }
0x1c: {  	p1 =	slt.u32 s9, $0xF7A;
	s5 =	simm.s32 @!p2 $0x0  }
0x1d: {  	s5 =	simm.s32 @p1 $0x1;
	p0 =	seq.s32 s7, s2  }
0x1e: {  	s7 =	smul.u32 @!p0 $0xF7A, s2;
	p2 =	seq.s32 @!p0 s5, $0x0  }
0x1f: {  	s9 =	smul.u32 $0xF7A, s1;
	s8 =	simm.s32 @!p0 $0x1BF5;
	p2 =	por !p2, p0  }
0x20: {  	[sflag:s8] =	ssyncset.s32 @!p0 $0xFFFFF086;
	s6 =	sadd.s32 @!p0 s3, s7;
	s7 =	simm.s32 @!p0 $0x108  }
0x21: {  	s3 =	sadd.s32 s3, s9;
	s6 =	sadd.s32 @!p0 $0x88, s6;
	s7 =	simm.s32 @p2 $0x1082  }
0x22: {  	[simem:s7], [sflag:s8] =	dma.local @!p0 [hbm:s6], $0xF7A  }
0x23: {  	s9 =	sor.u32 $0xD0000000, s2;
	s6 =	simm.s32 $0x108;
	_ =	swait.ge @!p0 [sflag:s8], $0x0  }
0x24: {  	s3 =	sadd.s32 $0x88, s3;
	s6 =	simm.s32 @!p1 $0x1082;
	[sflag:s4] =	ssyncset.s32 $0xFFFFF086  }
0x25: {  	[simem:s6], [sflag:s4] =	dma.local [hbm:s3], $0xF7A  }
0x26: {  	[smem:$0x3F9B] =	sst s1;
	(tag) =	ssettag s2;
	_ =	strace s9  }
0x27: {  	s1 =	sld [smem:$0x3FAB]  }
0x28: {  	s2 =	sld [smem:$0x3FAC]  }
0x29: {  	s4 =	sld [smem:$0x3FAE]  }
0x2a: {  	p0 =	seq.s32 s5, $0x0;
	s5 =	sld [smem:$0x3FAF]  }
0x2b: {  	s6 =	sld [smem:$0x3FB0]  }
0x2c: {  	s7 =	sld [smem:$0x3FB1]  }
0x2d: {  	s3 =	simm.s32 $0x108;
	s8 =	sld [smem:$0x3FB2]  }
0x2e: {  	s3 =	simm.s32 @!p0 $0x1082;
	s9 =	sld [smem:$0x3FB3]  }
0x2f: {  	lr =	sadd.s32 s0, s3;
	s0 =	sld [smem:$0x3FAA]  }
0x30: {  	s3 =	sld [smem:$0x3FAD]  }
0x31: {  	[smem:$0x3FB6] =	sst s10  }
0x32: {  	s10 =	sld [smem:$0x3FB4];
	_ =	sdelay $0x3  }
0x33: {  	p0 =	seq.s32 s10, $0x1;
	s10 =	sld [smem:$0x3FB6];
	_ =	sdelay $0x3  }
0x34: {  	[smem:$0x3FB6] =	sst s10  }
0x35: {  	s10 =	sld [smem:$0x3FB5];
	_ =	sdelay $0x3  }
0x36: {  	p1 =	seq.s32 s10, $0x1;
	s10 =	sld [smem:$0x3FB6];
	_ =	sdelay $0x3  }
0x37: {  	[smem:$0x3FB6] =	sst s10  }
0x38: {  	s10 =	sld [smem:$0x3FB7]  }
0x39: {  	_ = 	snop;
	(pc) =	sbr.ind lr, $3  }
0x3a: {  	_ = 	snop  }
0x3b: {  	_ = 	snop  }
0x3c: {  	p2 =	seq.s32 s10, $0x1;
	s10 =	sld [smem:$0x3FB6]  }
0x3d: {  	_ =	shalt  }
0x3e: {  	_ =	shalt  }
0x3f: {  	_ =	shalt  }
0x40: {  	_ =	shalt  }
0x41: {  	_ =	shalt  }
0x42: {  	_ =	shalt  }
0x43: {  	_ =	shalt  }
0x44: {  	_ =	shalt  }
0x45: {  	_ =	shalt  }
0x46: {  	_ =	shalt  }
0x47: {  	_ =	shalt  }
0x48: {  	_ =	shalt  }
0x49: {  	_ =	shalt  }
0x4a: {  	_ =	shalt  }
0x4b: {  	_ =	shalt  }
0x4c: {  	_ =	shalt  }
0x4d: {  	_ =	shalt  }
0x4e: {  	_ =	shalt  }
0x4f: {  	_ =	shalt  }
0x50: {  	_ =	shalt  }
0x51: {  	_ =	shalt  }
0x52: {  	_ =	shalt  }
0x53: {  	_ =	shalt  }
0x54: {  	_ =	shalt  }
0x55: {  	_ =	shalt  }
0x56: {  	_ =	shalt  }
0x57: {  	_ =	shalt  }
0x58: {  	_ =	shalt  }
0x59: {  	_ =	shalt  }
0x5a: {  	_ =	shalt  }
0x5b: {  	_ =	shalt  }
0x5c: {  	_ =	shalt  }
0x5d: {  	_ =	shalt  }
0x5e: {  	_ =	shalt  }
0x5f: {  	_ =	shalt  }
0x60: {  	_ =	shalt  }
0x61: {  	_ =	shalt  }
0x62: {  	_ =	shalt  }
0x63: {  	_ =	shalt  }
0x64: {  	_ =	shalt  }
0x65: {  	_ =	shalt  }
0x66: {  	_ =	shalt  }
0x67: {  	_ =	shalt  }
0x68: {  	_ =	shalt  }
0x69: {  	_ =	shalt  }
0x6a: {  	_ =	shalt  }
0x6b: {  	_ =	shalt  }
0x6c: {  	_ =	shalt  }
0x6d: {  	_ =	shalt  }
0x6e: {  	_ =	shalt  }
0x6f: {  	_ =	shalt  }
0x70: {  	_ =	shalt  }
0x71: {  	_ =	shalt  }
0x72: {  	_ =	shalt  }
0x73: {  	_ =	shalt  }
0x74: {  	_ =	shalt  }
0x75: {  	_ =	shalt  }
0x76: {  	_ =	shalt  }
0x77: {  	_ =	shalt  }
0x78: {  	_ =	shalt  }
0x79: {  	_ =	shalt  }
0x7a: {  	_ =	shalt  }
0x7b: {  	_ =	shalt  }
0x7c: {  	_ =	shalt  }
0x7d: {  	_ =	shalt  }
0x7e: {  	_ =	shalt  }
0x7f: {  	_ =	shalt  }
0x80: {  	_ =	shalt  }
0x81: {  	_ =	shalt  }
0x82: {  	_ =	shalt  }
0x83: {  	_ =	shalt  }
0x84: {  	_ =	shalt  }
0x85: {  	_ =	shalt  }
0x86: {  	_ =	shalt  }
0x87: {  	_ =	shalt  }
.Lfunc_end0:
.L_simem_size_0:
called_computation_lowered:
.L_overlay_start_0:
0x88: {  	s2 =	sld [smem:$0x3FD9]  }
0x89: {  	s3 =	sld [smem:$0x3FFE];
	_ =	sdelay $0x1  }
0x8a: {  	s1 =	srdreg.scid  }
0x8b: {  	s0 =	sand.u32 $0x1, s1  }
0x8c: {  	s17 =	sshll.u32 s0, $0xA;
	s2 =	sadd.s32 s3, s2  }
0x8d: {  	s2 =	sadd.s32 s2, s17  }
0x8e: {  	[smem:$0x3FC2] =	sst s2  }
0x8f: {  	_ = 	snop  }
0x90: {  	s2 =	sld [smem:$0x3FD0];
	(tm) =	ssettm $0x1  }
0x91: {  	s18 =	sld [smem:$0x3FFB];
	_ =	sdelay $0x3  }
0x92: {  	_ =	strace s18  }
0x93: {  	s3 =	sld [smem:$0x3FFC];
	_ =	sdelay $0x3  }
0x94: {  	_ =	strace s3  }
0x95: {  	s3 =	sld [smem:$0x3FFD];
	_ =	sdelay $0x3  }
0x96: {  	_ =	strace s3  }
0x97: {  	_ =	strace $0x8FFFFFFF  }
0x98: {  	s19 =	sld [smem:$0x3FDB];
	_ =	sdelay $0x1  }
0x99: {  	s4 =	simm.s32 $_scs_section_size  }
0x9a: {  	s5 =	simm.s32 $_size__tile_overlayer_lowered;
	s6 =	simm.s32 $_tile_overlayer_lowered  }
0x9b: {  	s22 =	simm.s32 $0x1BFF;
	s21 =	sshll.u32 s6, $0x1;
	s3 =	sadd.s32 s4, s19  }
0x9c: {  	s7 =	simm.s32 $0x0;
	s20 =	sshll.u32 s5, $0x1;
	s5 =	sadd.s32 s21, s3  }
0x9d: {  	[timem:s7], [sflag:s22] =	dma.local [hbm:s5], s20  }
0x9e: {  	_ =	swait.ge [sflag:s22], s20  }
0x9f: {  	s4 =	ssub.s32 $0x0, s20;
	[sflag:s22] =	ssyncset.done $0x0  }
0xa0: {  	[sflag:s22] =	ssyncadd.s32 s4;
	_ =	sdelay $0x1  }
0xa1: {  	s23 =	simm.s32 $0x1B8B  }
0xa2: {  	_ =	swait.ge [sflag:s23], $0x1  }
0xa3: {  	[sflag:s23] =	ssyncset.done $0x0  }
0xa4: {  	s25 =	simm.s32 $0x1B8E;
	s24 =	sld [smem:$0x3FFE];
	[sflag:s23] =	ssyncadd.s32 $0xFFFFFFFF  }
0xa5: {  	s26 =	simm.s32 $execute0_lowered;
	[smem:$0x3FD2] =	sst s25  }
0xa6: {  	s5 =	sshll.u32 s26, $0x1;
	_ =	strace $0x80000046;
	[dreg:$0x1] =	wrdreg $0xFFFFFFFF  }
0xa7: {  	s28 =	simm.s32 $_size_execute0_lowered;
	s3 =	sadd.s32 s3, s5;
	[dreg:$0x0] =	wrdreg $0x0  }
0xa8: {  	s5 =	sshll.u32 s28, $0x1;
	[dreg:$0x2] =	wrdreg s3  }
0xa9: {  	[dreg:$0x3] =	wrdreg s5  }
0xaa: {  	[dreg:$0x4] =	wrdreg $0xC0  }
0xab: {  	_ =	task [dreg:s7], $0x5FFFF  }
0xac: {  	[dreg:$0x1] =	wrdreg $0xFFFFFFFF  }
0xad: {  	[dreg:$0x0] =	wrdreg $0x60  }
0xae: {  	[dreg:$0x2] =	wrdreg s2  }
0xaf: {  	[dreg:$0x3] =	wrdreg s24  }
0xb0: {  	[dreg:$0x4] =	wrdreg $0x0  }
0xb1: {  	[dreg:$0x5] =	wrdreg $0x9  }
0xb2: {  	_ =	task.clear_ibuf [dreg:s7], $0x6FFFF;
	_ =	strace $0x90000046  }
0xb3: {  	s29 =	simm.s32 $0x9;
	_ =	strace $0x80000048  }
0xb4: {  	_ =	swait.ge [sflag:s29], $0x1  }
0xb5: {  	[sflag:s29] =	ssyncadd.s32 $0xFFFFFFFF  }
0xb6: {  	_ =	strace $0x90000048  }
0xb7: {  	_ =	sfence  }
0xb8: {  	s30 =	sld [smem:$0x0];
	_ =	sdelay $0x2  }
0xb9: {  	s31 =	sshll.u32 s1, $0xD;
	s1 =	sshrl.u32 s1, $0x2  }
0xba: {  	s3 =	sand.u32 $0x4000, s31;
	s1 =	sadd.s32 s1, s30  }
0xbb: {  	s0 =	sor.u32 s3, s0;
	s1 =	sshll.u32 s1, $0x11  }
0xbc: {  	s0 =	sor.u32 s1, s0  }
0xbd: {  	s0 =	sadd.s32 $0x8F2B, s0  }
0xbe: {  	[sflag:s0] =	ssyncadd.remote.s32 $0x1  }
0xbf: {  	_ =	sfence.sel $0xFFFF  }
0xc0: {  	[dreg:$0x0] =	wrdreg $0xFFFFFFFF;
	(pc) =	sbr.abs _section_cstart, $3  }
0xc1: {  	[dreg:$0x1] =	wrdreg $0xFFFFFFFF  }
0xc2: {  	_ =	task.clear_ibuf [dreg:s7], $0x2FFFF;
	_ =	strace $0x9FFFFFFF  }
0xc3: {  	(tm) =	ssettm $0x7FFFFFFF  }
tec
execute0_lowered:
.L_overlay_start_1:
0x0: {  	(tag) =	ssettag $0x1  }
0x1: {  	s13 =	rddreg [dreg:$0x0]  }
0x2: {  	s5 =	rddreg [dreg:$0x1]  }
0x3: {  	s1 =	rddreg [dreg:$0x2]  }
0x4: {  	s0 =	rddreg [dreg:$0x3];
	s2 =	simm.s32 $0x0  }
0x5: {  	s4 =	srdreg.scid;
	s15 =	stileid.u32;
	s16 =	simm.s32 $0x1  }
0x6: {  	s17 =	simm.s32 $0x4E10;
	s18 =	simm.s32 $0x8C90;
	s19 =	simm.s32 $0x3E8  }
0x7: {  	s20 =	simm.s32 $0x9078;
	s21 =	simm.s32 $0x0;
	[smem:$0x7FF] =	sst s2  }
0x8: {  	s3 =	sadd.s32 $0x2600, s5;
	s7 =	sand.u32 $0x1, s4;
	s8 =	smul.u32 $0x9C00, s15  }
0x9: {  	s4 =	sadd.s32 $0x2C00, s5;
	s9 =	sadd.s32 $0x3400, s5;
	s10 =	smul.u32 $0x270, s15  }
0xa: {  	s12 =	sshll.u32 s15, $0x1;
	p0 =	sne.s32 s15, $0x0;
	s15 =	simm.s32 $0x2710  }
0xb: {  	_ =	strace $0x80000047;
	s6 =	ssub.s32 $0x2, s7;
	s28 =	smul.u32 $0x2710, s7  }
0xc: {  	s7 =	sor.u32 s7, s12;
	s25 =	sshrl.u32 s6, $0x1;
	s26 =	sshrl.u32 s8, $0x2  }
0xd: {  	s12 =	smul.u32 $0x1388, s7;
	s11 =	ssub.s32 s6, s25;
	s5 =	sadd.s32 s26, s1  }
0xe: {  	s6 =	sadd.s32 $0x27000, s1;
	s10 =	sadd.s32 s10, s28;
	s8 =	sshrl.u32 s28, $0x3  }
0xf: {  	s29 =	sshrl.u32 s10, $0x3;
	s8 =	sadd.s32 s9, s8;
	s30 =	sshrl.u32 s12, $0x3  }
0x10: {  	s31 =	sadd.s32 $0x3E8, s12;
	s12 =	sadd.s32 $0xBB8, s12;
	s7 =	sadd.s32 s9, s29  }
0x11: {  	s8 =	sadd.s32 $0x4E0, s8;
	s9 =	smax.u32 s11, $0x1;
	s11 =	sshrl.u32 s31, $0x3  }
0x12: {  	v0 =	vlaneseq.u32;
	s10 =	sadd.s32 s13, s30;
	s14 =	sshrl.u32 s12, $0x3;
	s11 =	sadd.s32 s13, s11  }
0x13: {  	v0 =	vmul.u32 $0x10, v0;
	s12 =	sadd.s32 $0xFA, s10;
	s13 =	sadd.s32 s13, s14;
	s14 =	sadd.s32 $0x1F4, s10  }
.LBB2_1:
0x14: {  	[tilespmem:s15], [sflag:$0x1] =	stream.linear.gather [hbm4b:s3+s2], $0x2700, $0x38;
	[tilespmem:$0x92E8] =	vst v63  }
0x15: {  	_ =	swait.ge [sflag:s16], $0x2700  }
0x16: {  	[sflag:s16] =	ssyncset.done $0x0  }
0x17: {  	[sflag:s16] =	ssyncadd.s32 $0xFFFFD900  }
0x18: {  	[tilespmem:s17], [sflag:$0x1] =	stream.linear.gather [hbm4b:s4+s2], $0x3E80, $0x38;
	[tilespmem:$0x92E8] =	vst v63  }
0x19: {  	_ =	swait.ge [sflag:s16], $0x3E80  }
0x1a: {  	[sflag:s16] =	ssyncset.done $0x0  }
0x1b: {  	[sflag:s16] =	ssyncadd.s32 $0xFFFFC180  }
0x1c: {  	[spmem:s5] =	stream.linear.scatter [tilespmem:s15], [sflag:$0x1], $0x2700, $0x38;
	[tilespmem:$0x92E8] =	vst v63  }
0x1d: {  	_ =	swait.ge [sflag:s16], $0x2700  }
0x1e: {  	[sflag:s16] =	ssyncset.done $0x0  }
0x1f: {  	s22 =	simm.s32 @!p0 $0x2710;
	[sflag:s16] =	ssyncadd.s32 $0xFFFFD900  }
0x20: {  	[spmem:s6] =	stream.linear.scatter @!p0 [tilespmem:s22], [sflag:$0x1], $0x100, $0x38;
	[tilespmem:$0x92E8] =	vst v63  }
0x21: {  	s22 =	simm.s32 @!p0 $0x1  }
0x22: {  	_ =	swait.ge @!p0 [sflag:s22], $0x100  }
0x23: {  	[sflag:s22] =	ssyncset.done @!p0 $0x0  }
0x24: {  	[sflag:s22] =	ssyncadd.s32 @!p0 $0xFFFFFF00  }
0x25: {  	[bflag:$0x0] =	sbarrier.arrive $0xFFFF  }
0x26: {  	[tilespmem:s18], [sflag:$0x1] =	stream.linear.gather [hbm4b:s10+s2], $0x3E8, $0x38;
	[tilespmem:$0x92E8] =	vst v63  }
0x27: {  	_ =	swait.ge [sflag:s16], $0x3E8  }
0x28: {  	[sflag:s16] =	ssyncset.done $0x0  }
0x29: {  	[sflag:s16] =	ssyncadd.s32 $0xFFFFFC18  }
0x2a: {  	[spmem:s1] =	stream.indirect.scatter.add.f32 [tilespmem:s17], [sflag:$0x1], $0x10, s18, s19, $0xb8;
	[tilespmem:$0x92E8] =	vst v63  }
0x2b: {  	_ =	swait.ge [sflag:s16], $0x3E80  }
0x2c: {  	[sflag:s16] =	ssyncset.done $0x0  }
0x2d: {  	[sflag:s16] =	ssyncadd.s32 $0xFFFFC180  }
0x2e: {  	[tilespmem:s18], [sflag:$0x1] =	stream.linear.gather [hbm4b:s11+s2], $0x3E8, $0x38;
	[tilespmem:$0x92E8] =	vst v63  }
0x2f: {  	_ =	swait.ge [sflag:s16], $0x3E8  }
0x30: {  	[sflag:s16] =	ssyncset.done $0x0  }
0x31: {  	[sflag:s16] =	ssyncadd.s32 $0xFFFFFC18  }
0x32: {  	[spmem:s1] =	stream.indirect.scatter.add.f32 [tilespmem:s17], [sflag:$0x1], $0x10, s18, s19, $0xb8;
	[tilespmem:$0x92E8] =	vst v63  }
0x33: {  	_ =	swait.ge [sflag:s16], $0x3E80  }
0x34: {  	[sflag:s16] =	ssyncset.done $0x0  }
0x35: {  	[sflag:s16] =	ssyncadd.s32 $0xFFFFC180  }
0x36: {  	[tilespmem:s18], [sflag:$0x1] =	stream.linear.gather [hbm4b:s12+s2], $0x3E8, $0x38;
	[tilespmem:$0x92E8] =	vst v63  }
0x37: {  	_ =	swait.ge [sflag:s16], $0x3E8  }
0x38: {  	[sflag:s16] =	ssyncset.done $0x0  }
0x39: {  	[sflag:s16] =	ssyncadd.s32 $0xFFFFFC18  }
0x3a: {  	[spmem:s1] =	stream.indirect.scatter.add.f32 [tilespmem:s17], [sflag:$0x1], $0x10, s18, s19, $0xb8;
	[tilespmem:$0x92E8] =	vst v63  }
0x3b: {  	_ =	swait.ge [sflag:s16], $0x3E80  }
0x3c: {  	[sflag:s16] =	ssyncset.done $0x0  }
0x3d: {  	[sflag:s16] =	ssyncadd.s32 $0xFFFFC180  }
0x3e: {  	[tilespmem:s18], [sflag:$0x1] =	stream.linear.gather [hbm4b:s13+s2], $0x3E8, $0x38;
	[tilespmem:$0x92E8] =	vst v63  }
0x3f: {  	_ =	swait.ge [sflag:s16], $0x3E8  }
0x40: {  	[sflag:s16] =	ssyncset.done $0x0  }
0x41: {  	[sflag:s16] =	ssyncadd.s32 $0xFFFFFC18  }
0x42: {  	[spmem:s1] =	stream.indirect.scatter.add.f32 [tilespmem:s17], [sflag:$0x1], $0x10, s18, s19, $0xb8;
	[tilespmem:$0x92E8] =	vst v63  }
0x43: {  	_ =	swait.ge [sflag:s16], $0x3E80  }
0x44: {  	[sflag:s16] =	ssyncset.done $0x0  }
0x45: {  	[sflag:s16] =	ssyncadd.s32 $0xFFFFC180  }
0x46: {  	[tilespmem:s18], [sflag:$0x1] =	stream.linear.gather [hbm4b:s14+s2], $0x3E8, $0x38;
	[tilespmem:$0x92E8] =	vst v63  }
0x47: {  	_ =	swait.ge [sflag:s16], $0x3E8  }
0x48: {  	[sflag:s16] =	ssyncset.done $0x0  }
0x49: {  	[sflag:s16] =	ssyncadd.s32 $0xFFFFFC18  }
0x4a: {  	[spmem:s1] =	stream.indirect.scatter.add.f32 [tilespmem:s17], [sflag:$0x1], $0x10, s18, s19, $0xb8;
	[tilespmem:$0x92E8] =	vst v63  }
0x4b: {  	_ =	swait.ge [sflag:s16], $0x3E80  }
0x4c: {  	v1 =	vmov s2;
	[sflag:s16] =	ssyncset.done $0x0  }
0x4d: {  	v1 =	vshll.u32 v1, $0x4;
	[sflag:s16] =	ssyncadd.s32 $0xFFFFC180  }
0x4e: {  	v1 =	vor.u32 v0, v1;
	[bflag:$0x0] =	sbarrier.arrive $0xFFFF  }
0x4f: {  	[tilespmem:s15], [sflag:$0x1] =	stream.linear.gather [spmem:s5], $0x2700, $0x38;
	[tilespmem:$0x92E8] =	vst v63  }
0x50: {  	_ =	swait.ge [sflag:s16], $0x2700  }
0x51: {  	s30 =	simm.s32 $0x10;
	[sflag:s16] =	ssyncset.done $0x0  }
0x52: {  	v2 =	vmov s30;
	[sflag:s16] =	ssyncadd.s32 $0xFFFFD900  }
0x53: {  	v2 =	vshll.u32 v2, $0x4;
	v1 =	vld.idx.msk [tilespmem:v1+s15+$0x0], $0xffff  }
0x54: {  	v3 =	vor.u32 v0, v2;
	_ =	sdelay $0x3  }
0x55: {  	s31 =	simm.s32 $0x20;
	[tilespmem:s20+$0x0] =	vst v1  }
0x56: {  	s23 =	simm.s32 $0x30;
	v2 =	vmov s31;
	s22 =	simm.s32 $0x9078;
	v1 =	vld.idx.msk [tilespmem:v3+s15+$0x0], $0xffff  }
.LBB2_2:
0x57: {  	p1 =	sne.s32 s23, $0x260;
	v2 =	vshll.u32 v2, $0x4  }
0x58: {  	v3 =	vor.u32 v0, v2  }
.Ltmp0:
0x59: {  	(pc) =	sbr.rel @p1 .LBB2_2-.Ltmp0, $4  }
0x5a: {  	_ = 	snop  }
0x5b: {  	s22 =	sadd.s32 $0x10, s22  }
0x5c: {  	[tilespmem:s22+$0x0] =	vst v1  }
0x5d: {  	v2 =	vmov s23;
	s23 =	sadd.s32 $0x10, s23;
	v1 =	vld.idx.msk [tilespmem:v3+s15+$0x0], $0xffff  }
0x5e: {  	v2 =	vshll.u32 v2, $0x4  }
0x5f: {  	v2 =	vor.u32 v0, v2;
	_ =	sdelay $0x2  }
0x60: {  	s22 =	sadd.s32 $0x10, s22  }
0x61: {  	[tilespmem:s22+$0x0] =	vst v1  }
0x62: {  	v1 =	vld.idx.msk [tilespmem:v2+s15+$0x0], $0xffff;
	_ =	sdelay $0x3  }
0x63: {  	s22 =	sadd.s32 $0x10, s22  }
0x64: {  	[tilespmem:s22+$0x0] =	vst v1  }
0x65: {  	[hbm4b:s7+s2] =	stream.linear.scatter [tilespmem:s20], [sflag:$0x1], $0x270, $0x38;
	[tilespmem:$0x92E8] =	vst v63  }
0x66: {  	v1 =	vlaneseq.u32 @!p0;
	_ =	swait.ge [sflag:s16], $0x270  }
0x67: {  	v1 =	vmul.u32 @!p0 $0x10, v1;
	[sflag:s16] =	ssyncset.done $0x0  }
0x68: {  	s23 =	simm.s32 @!p0 $0x1;
	s22 =	simm.s32 @!p0 $0x2710;
	[sflag:s16] =	ssyncadd.s32 $0xFFFFFD90  }
0x69: {  	[tilespmem:s22], [sflag:$0x1] =	stream.linear.gather @!p0 [spmem:s6], $0x100, $0x38;
	[tilespmem:$0x92E8] =	vst v63  }
0x6a: {  	_ =	swait.ge @!p0 [sflag:s23], $0x100  }
0x6b: {  	[sflag:s23] =	ssyncset.done @!p0 $0x0  }
0x6c: {  	[sflag:s23] =	ssyncadd.s32 @!p0 $0xFFFFFF00  }
0x6d: {  	v1 =	vld.idx.msk @!p0 [tilespmem:v1+s22+$0x0], $0xffff;
	_ =	sdelay $0x2  }
0x6e: {  	s21 =	sadd.s32 $0x1, s21  }
0x6f: {  	p1 =	sne.s32 s21, s9  }
.Ltmp1:
0x70: {  	s24 =	simm.s32 @!p0 $0x9078;
	s22 =	simm.s32 @!p0 $0x0;
	[tilespmem:$0x9078] =	vst @!p0 v1;
	(pc) =	sbr.rel @p1 .LBB2_1-.Ltmp1, $4  }
0x71: {  	[hbm4b:s8+s22] =	stream.linear.scatter @!p0 [tilespmem:s24], [sflag:$0x1], $0x10, $0x38;
	[tilespmem:$0x92E8] =	vst v63  }
0x72: {  	_ =	swait.ge @!p0 [sflag:s23], $0x10  }
0x73: {  	[sflag:s23] =	ssyncset.done @!p0 $0x0  }
0x74: {  	[sflag:s23] =	ssyncadd.s32 @!p0 $0xFFFFFFF0  }
0x75: {  	_ =	sfence.sel $0x180000  }
0x76: {  	[bflag:$0x0] =	sbarrier.arrive $0xFFFF  }
0x77: {  	_ =	strace $0x90000047  }
0x78: {  	s0 =	sadd.s32 @!p0 $0x100000, s0;
	[bflag:$0x2] =	sbarrier.arrive $0xFFFF  }
0x79: {  	[sflag:s0] =	ssyncadd.tile.s32 @!p0 $0x1;
	_ =	shalt  }
.Lfunc_end2:
_tile_overlayer_lowered:
.L_overlay_start_2:
0x7a: {  	(tag) =	ssettag $0x2  }
0x7b: {  	s0 =	rddreg [dreg:$0x0];
	s2 =	stileid.u32  }
0x7c: {  	s1 =	rddreg [dreg:$0x1];
	p0 =	sne.s32 s2, $0x0  }
0x7d: {  	s3 =	rddreg [dreg:$0x2];
	[bflag:$0x3] =	sbarrier.arrive $0xFFFF;
	s2 =	simm.s32 @!p0 $0x1C01  }
0x7e: {  	[timem:s3], [sflag:s2] =	dma.local @!p0 [hbm:s0], s1  }
0x7f: {  	s0 =	simm.s32 @!p0 $0x1  }
0x80: {  	_ =	swait.ge @!p0 [sflag:s0], s1  }
0x81: {  	s1 =	ssub.s32 @!p0 $0x0, s1;
	[sflag:s0] =	ssyncset.done @!p0 $0x0  }
0x82: {  	[sflag:s0] =	ssyncadd.s32 @!p0 s1  }
0x83: {  	[bflag:$0x3] =	sbarrier.arrive $0xFFFF  }
0x84: {  	_ =	shalt  }

</sc_bundles>
